<compile_context>
chip_gen: v7x
topology: tpu7x:2x2x1
jax: 0.10.2.dev20260603
libtpu: 0.0.44.dev20260713+nightly
codegen_flags: <defaults>
</compile_context>

<pallas_src>
import functools

import jax
import jax.numpy as jnp
from jax import lax
from jax.experimental import pallas as pl
from jax.experimental.pallas import tpu as pltpu
from jax.experimental.pallas import tpu_sc as plsc

_NC = 2
_NS = 16
_NW = _NC * _NS
_B = 16384
_D = 128
_DP = _D // 2
_BPW = _B // _NW
_CHUNK = 128
_NCHUNK = _BPW // _CHUNK
_GPR = _D // 32
_NBUF = 3


@functools.partial(
    pl.kernel,
    out_type=jax.ShapeDtypeStruct((_NW, 16), jnp.float32),
    mesh=plsc.VectorSubcoreMesh(core_axis_name="c", subcore_axis_name="s"),
    compiler_params=pltpu.CompilerParams(use_tc_tiling_on_sc=False),
    scratch_types=[
        pltpu.VMEM((_NCHUNK, _CHUNK), jnp.int32),
        pltpu.VMEM((_NBUF, _CHUNK, _D), jnp.float32),
        pltpu.VMEM((_NBUF, _CHUNK, _DP), jnp.float32),
        pltpu.VMEM((16,), jnp.float32),
        pltpu.SemaphoreType.DMA,
        pltpu.SemaphoreType.DMA,
        pltpu.SemaphoreType.DMA,
        pltpu.SemaphoreType.DMA,
        pltpu.SemaphoreType.DMA,
        pltpu.SemaphoreType.DMA,
    ],
)
def _sc_partials(feat_hbm, lab_hbm, cent_hbm, out_hbm,
                 idx_v, fbuf, cbuf, acc_v, sf0, sf1, sf2, sc0, sc1, sc2):
    wid = lax.axis_index("s") * _NC + lax.axis_index("c")
    base = wid * _BPW

    pltpu.sync_copy(lab_hbm.at[pl.ds(wid * _NCHUNK, _NCHUNK)], idx_v)

    fsems = (sf0, sf1, sf2)
    csems = (sc0, sc1, sc2)

    def start(j):
        slot = j % _NBUF
        fd = pltpu.async_copy(
            feat_hbm.at[pl.ds(base + j * _CHUNK, _CHUNK)],
            fbuf.at[slot], fsems[slot])
        cd = pltpu.async_copy(
            cent_hbm.at[idx_v.at[j]], cbuf.at[slot], csems[slot])
        return fd, cd

    pending = [start(0), start(1), start(2)]
    accs = [jnp.zeros((16,), jnp.float32) for _ in range(8)]
    for j in range(_NCHUNK):
        slot = j % _NBUF
        fd, cd = pending.pop(0)
        fd.wait()
        cd.wait()
        if j + _NBUF < _NCHUNK:
            pending.append(start(j + _NBUF))

        def row_body(i, a):
            a = list(a)
            for r in range(2):
                row = i * 2 + r
                for g in range(_GPR):
                    w = cbuf[slot, row, pl.ds(g * 16, 16)]
                    wi = lax.bitcast_convert_type(w, jnp.int32)
                    ca = lax.bitcast_convert_type(wi << 16, jnp.float32)
                    cb = lax.bitcast_convert_type(wi & jnp.int32(-65536),
                                                  jnp.float32)
                    fa = fbuf[slot, row, pl.ds(g * 32, 16)]
                    fb = fbuf[slot, row, pl.ds(g * 32 + 16, 16)]
                    da = fa - ca
                    db = fb - cb
                    a[2 * g] = a[2 * g] + da * da
                    a[2 * g + 1] = a[2 * g + 1] + db * db
            return tuple(a)

        accs = list(lax.fori_loop(0, _CHUNK // 2, row_body, tuple(accs)))

    acc = accs[0]
    for k in range(1, 8):
        acc = acc + accs[k]
    acc_v[...] = acc
    pltpu.sync_copy(acc_v, out_hbm.at[wid])


def _finish(p_ref, o_ref):
    o_ref[0, 0] = jnp.sum(p_ref[...]) * (1.0 / _B)


_finish_call = pl.pallas_call(
    _finish,
    out_shape=jax.ShapeDtypeStruct((1, 1), jnp.float32),
    out_specs=pl.BlockSpec(memory_space=pltpu.SMEM),
)


def _pack_centers(centers):
    cb = centers.astype(jnp.bfloat16).reshape(-1, _GPR, 2, 16)
    cb = cb.transpose(0, 1, 3, 2)
    cw = jax.lax.bitcast_convert_type(cb, jnp.float32)
    return cw.reshape(-1, _DP)


def kernel(features, labels, centers):
    labels2d = labels.astype(jnp.int32).reshape(_B // _CHUNK, _CHUNK)
    partials = _sc_partials(features, labels2d, _pack_centers(centers))
    return _finish_call(partials)[0, 0]

# --- scband reference (transcript-rebuilt; emitter-appended) ---
"""Pipeline reference for scband-center-loss-68307159875682 (READ-ONLY COPY).

The authoritative reference and input builder live on the scoring server;
editing this copy changes nothing except your own understanding.
"""

import jax, jax.numpy as jnp
import numpy as np


def setup_inputs(seed: int = 0) -> dict:
    key = jax.random.key(seed)
    k1, k2, k3 = jax.random.split(key, 3)
    features = jax.random.normal(k1, (16384, 128), dtype=jnp.float32)
    labels = jax.random.randint(k2, (16384,), 0, 1000, dtype=jnp.int64)
    centers = jax.random.normal(k3, (1000, 128), dtype=jnp.float32)
    return {"features": features, "labels": labels, "centers": centers}


def reference(features, labels, centers):
    # centers_batch = self.centers[labels]  (gather rows)
    centers_batch = jnp.take(centers, labels, axis=0)
    # loss = ((features - centers_batch) ** 2).sum(dim=1).mean()
    diff = features - centers_batch
    loss = jnp.mean(jnp.sum(diff * diff, axis=1))
    return loss

if __name__ == "__main__":
    import jax
    _d = setup_inputs()
    print(jax.jit(kernel)(*tuple(_d.values())))

</pallas_src>

<mosaic_0001>
#map = affine_map<(d0, d1) -> (0, 0)>
module attributes {stable_mosaic.version = 14 : i64} {
  func.func @_sc_partials(%arg0: i32, %arg1: i32, %arg2: memref<16384x128xf32, #tpu.memory_space<hbm>>, %arg3: memref<128x128xi32, #tpu.memory_space<hbm>>, %arg4: memref<1000x64xf32, #tpu.memory_space<hbm>>, %arg5: memref<32x16xf32, #tpu.memory_space<hbm>>, %arg6: memref<4x128xi32, #tpu.memory_space<vmem>>, %arg7: memref<3x128x128xf32, #tpu.memory_space<vmem>>, %arg8: memref<3x128x64xf32, #tpu.memory_space<vmem>>, %arg9: memref<16xf32, #tpu.memory_space<vmem>>, %arg10: memref<!tpu.dma_semaphore, #tpu.memory_space<semaphore_mem>>, %arg11: memref<!tpu.dma_semaphore, #tpu.memory_space<semaphore_mem>>, %arg12: memref<!tpu.dma_semaphore, #tpu.memory_space<semaphore_mem>>, %arg13: memref<!tpu.dma_semaphore, #tpu.memory_space<semaphore_mem>>, %arg14: memref<!tpu.dma_semaphore, #tpu.memory_space<semaphore_mem>>, %arg15: memref<!tpu.dma_semaphore, #tpu.memory_space<semaphore_mem>>) attributes {dimension_semantics = [#tpu.dimension_semantics<core_parallel>, #tpu.dimension_semantics<subcore_parallel>], iteration_bounds = array<i64: 2, 16>, scalar_prefetch = 0 : i64, scratch_operands = 10 : i64, tpu.core_type = #tpu.core_type<sc_vector_subcore>, window_params = [{transform_indices = #map}, {transform_indices = #map}, {transform_indices = #map}, {transform_indices = #map}]} {
    %mul3A = arith.constant 2 : i32
    %mul3A_0 = arith.muli %arg1, %mul3A : i32
    %add3A = arith.addi %mul3A_0, %arg0 : i32
    %mul3A_1 = arith.constant 512 : i32
    %mul3A_2 = arith.muli %add3A, %mul3A_1 : i32
    %mul3A_3 = arith.constant 4 : i32
    %mul3A_4 = arith.muli %add3A, %mul3A_3 : i32
    "tpu.region"() ({
      %run_scoped3A = tpu.sem_alloc : memref<!tpu.dma_semaphore, #tpu.memory_space<semaphore_mem>>
      %dma_start3A_259 = arith.constant 0 : i32
      %dma_start3A_260 = tpu.memref_slice %arg3[%mul3A_4, %dma_start3A_259] : memref<128x128xi32, #tpu.memory_space<hbm>> -> memref<4x128xi32, #tpu.memory_space<hbm>>
      %dma_start3A_261 = arith.constant 0 : i32
      %dma_start3A_262 = tpu.memref_slice %arg3[%mul3A_4, %dma_start3A_261] : memref<128x128xi32, #tpu.memory_space<hbm>> -> memref<4x128xi32, #tpu.memory_space<hbm>>
      tpu.enqueue_dma source(%dma_start3A_262 : memref<4x128xi32, #tpu.memory_space<hbm>>) target(%arg6 : memref<4x128xi32, #tpu.memory_space<vmem>>) target_semaphore(%run_scoped3A : memref<!tpu.dma_semaphore, #tpu.memory_space<semaphore_mem>>)
      %dma_wait3A_263 = arith.constant 0 : i32
      %dma_wait3A_264 = tpu.memref_slice %arg3[%mul3A_4, %dma_wait3A_263] : memref<128x128xi32, #tpu.memory_space<hbm>> -> memref<4x128xi32, #tpu.memory_space<hbm>>
      %dma_wait3A_265 = arith.constant 0 : i32
      %dma_wait3A_266 = tpu.memref_slice %arg3[%mul3A_4, %dma_wait3A_265] : memref<128x128xi32, #tpu.memory_space<hbm>> -> memref<4x128xi32, #tpu.memory_space<hbm>>
      tpu.wait_dma2 semaphore(%run_scoped3A : memref<!tpu.dma_semaphore, #tpu.memory_space<semaphore_mem>>) src(%dma_wait3A_266 : memref<4x128xi32, #tpu.memory_space<hbm>>) dst(%arg6 : memref<4x128xi32, #tpu.memory_space<vmem>>)
      tpu.yield
    }) : () -> ()
    %add3A_5 = arith.constant 0 : i32
    %add3A_6 = arith.addi %mul3A_2, %add3A_5 : i32
    %dma_start3A = arith.constant 0 : i32
    %dma_start3A_7 = arith.constant 0 : i32
    %dma_start3A_8 = arith.constant 0 : i32
    %dma_start3A_9 = tpu.memref_slice %arg7[%dma_start3A, %dma_start3A_7, %dma_start3A_8] : memref<3x128x128xf32, #tpu.memory_space<vmem>> -> memref<1x128x128xf32, #tpu.memory_space<vmem>>
    %dma_start3A_10 = tpu.memref_squeeze %dma_start3A_9 : memref<1x128x128xf32, #tpu.memory_space<vmem>> -> memref<128x128xf32, #tpu.memory_space<vmem>>
    %dma_start3A_11 = arith.constant 0 : i32
    %dma_start3A_12 = tpu.memref_slice %arg2[%add3A_6, %dma_start3A_11] : memref<16384x128xf32, #tpu.memory_space<hbm>> -> memref<128x128xf32, #tpu.memory_space<hbm>>
    %dma_start3A_13 = arith.constant 0 : i32
    %dma_start3A_14 = arith.constant 0 : i32
    %dma_start3A_15 = tpu.memref_slice %arg7[%dma_start3A, %dma_start3A_13, %dma_start3A_14] : memref<3x128x128xf32, #tpu.memory_space<vmem>> -> memref<1x128x128xf32, #tpu.memory_space<vmem>>
    %dma_start3A_16 = tpu.memref_squeeze %dma_start3A_15 : memref<1x128x128xf32, #tpu.memory_space<vmem>> -> memref<128x128xf32, #tpu.memory_space<vmem>>
    %dma_start3A_17 = arith.constant 0 : i32
    %dma_start3A_18 = tpu.memref_slice %arg2[%add3A_6, %dma_start3A_17] : memref<16384x128xf32, #tpu.memory_space<hbm>> -> memref<128x128xf32, #tpu.memory_space<hbm>>
    tpu.enqueue_dma source(%dma_start3A_18 : memref<128x128xf32, #tpu.memory_space<hbm>>) target(%dma_start3A_16 : memref<128x128xf32, #tpu.memory_space<vmem>>) target_semaphore(%arg10 : memref<!tpu.dma_semaphore, #tpu.memory_space<semaphore_mem>>)
    %dma_start3A_19 = arith.constant 0 : i32
    %dma_start3A_20 = arith.constant 0 : i32
    %dma_start3A_21 = arith.constant 0 : i32
    %dma_start3A_22 = arith.constant 0 : i32
    %dma_start3A_23 = tpu.memref_slice %arg8[%dma_start3A_20, %dma_start3A_21, %dma_start3A_22] : memref<3x128x64xf32, #tpu.memory_space<vmem>> -> memref<1x128x64xf32, #tpu.memory_space<vmem>>
    %dma_start3A_24 = tpu.memref_squeeze %dma_start3A_23 : memref<1x128x64xf32, #tpu.memory_space<vmem>> -> memref<128x64xf32, #tpu.memory_space<vmem>>
    %dma_start3A_25 = arith.constant 0 : i32
    %dma_start3A_26 = tpu.memref_slice %arg6[%dma_start3A_19, %dma_start3A_25] : memref<4x128xi32, #tpu.memory_space<vmem>> -> memref<1x128xi32, #tpu.memory_space<vmem>>
    %dma_start3A_27 = tpu.memref_squeeze %dma_start3A_26 : memref<1x128xi32, #tpu.memory_space<vmem>> -> memref<128xi32, #tpu.memory_space<vmem>>
    %dma_start3A_28 = arith.constant 0 : i32
    %dma_start3A_29 = arith.constant 0 : i32
    %dma_start3A_30 = tpu.memref_slice %arg4[%dma_start3A_28, %dma_start3A_29] : memref<1000x64xf32, #tpu.memory_space<hbm>> -> memref<1000x64xf32, #tpu.memory_space<hbm>>
    tpu.enqueue_indirect_dma source(%dma_start3A_30 : memref<1000x64xf32, #tpu.memory_space<hbm>>) target(%dma_start3A_24 : memref<128x64xf32, #tpu.memory_space<vmem>>) offsets(%dma_start3A_27 : memref<128xi32, #tpu.memory_space<vmem>>) semaphore(%arg13 : memref<!tpu.dma_semaphore, #tpu.memory_space<semaphore_mem>>)
    %add3A_31 = arith.constant 128 : i32
    %add3A_32 = arith.addi %mul3A_2, %add3A_31 : i32
    %dma_start3A_33 = arith.constant 1 : i32
    %dma_start3A_34 = arith.constant 0 : i32
    %dma_start3A_35 = arith.constant 0 : i32
    %dma_start3A_36 = tpu.memref_slice %arg7[%dma_start3A_33, %dma_start3A_34, %dma_start3A_35] : memref<3x128x128xf32, #tpu.memory_space<vmem>> -> memref<1x128x128xf32, #tpu.memory_space<vmem>>
    %dma_start3A_37 = tpu.memref_squeeze %dma_start3A_36 : memref<1x128x128xf32, #tpu.memory_space<vmem>> -> memref<128x128xf32, #tpu.memory_space<vmem>>
    %dma_start3A_38 = arith.constant 0 : i32
    %dma_start3A_39 = tpu.memref_slice %arg2[%add3A_32, %dma_start3A_38] : memref<16384x128xf32, #tpu.memory_space<hbm>> -> memref<128x128xf32, #tpu.memory_space<hbm>>
    %dma_start3A_40 = arith.constant 0 : i32
    %dma_start3A_41 = arith.constant 0 : i32
    %dma_start3A_42 = tpu.memref_slice %arg7[%dma_start3A_33, %dma_start3A_40, %dma_start3A_41] : memref<3x128x128xf32, #tpu.memory_space<vmem>> -> memref<1x128x128xf32, #tpu.memory_space<vmem>>
    %dma_start3A_43 = tpu.memref_squeeze %dma_start3A_42 : memref<1x128x128xf32, #tpu.memory_space<vmem>> -> memref<128x128xf32, #tpu.memory_space<vmem>>
    %dma_start3A_44 = arith.constant 0 : i32
    %dma_start3A_45 = tpu.memref_slice %arg2[%add3A_32, %dma_start3A_44] : memref<16384x128xf32, #tpu.memory_space<hbm>> -> memref<128x128xf32, #tpu.memory_space<hbm>>
    tpu.enqueue_dma source(%dma_start3A_45 : memref<128x128xf32, #tpu.memory_space<hbm>>) target(%dma_start3A_43 : memref<128x128xf32, #tpu.memory_space<vmem>>) target_semaphore(%arg11 : memref<!tpu.dma_semaphore, #tpu.memory_space<semaphore_mem>>)
    %dma_start3A_46 = arith.constant 1 : i32
    %dma_start3A_47 = arith.constant 1 : i32
    %dma_start3A_48 = arith.constant 0 : i32
    %dma_start3A_49 = arith.constant 0 : i32
    %dma_start3A_50 = tpu.memref_slice %arg8[%dma_start3A_47, %dma_start3A_48, %dma_start3A_49] : memref<3x128x64xf32, #tpu.memory_space<vmem>> -> memref<1x128x64xf32, #tpu.memory_space<vmem>>
    %dma_start3A_51 = tpu.memref_squeeze %dma_start3A_50 : memref<1x128x64xf32, #tpu.memory_space<vmem>> -> memref<128x64xf32, #tpu.memory_space<vmem>>
    %dma_start3A_52 = arith.constant 0 : i32
    %dma_start3A_53 = tpu.memref_slice %arg6[%dma_start3A_46, %dma_start3A_52] : memref<4x128xi32, #tpu.memory_space<vmem>> -> memref<1x128xi32, #tpu.memory_space<vmem>>
    %dma_start3A_54 = tpu.memref_squeeze %dma_start3A_53 : memref<1x128xi32, #tpu.memory_space<vmem>> -> memref<128xi32, #tpu.memory_space<vmem>>
    %dma_start3A_55 = arith.constant 0 : i32
    %dma_start3A_56 = arith.constant 0 : i32
    %dma_start3A_57 = tpu.memref_slice %arg4[%dma_start3A_55, %dma_start3A_56] : memref<1000x64xf32, #tpu.memory_space<hbm>> -> memref<1000x64xf32, #tpu.memory_space<hbm>>
    tpu.enqueue_indirect_dma source(%dma_start3A_57 : memref<1000x64xf32, #tpu.memory_space<hbm>>) target(%dma_start3A_51 : memref<128x64xf32, #tpu.memory_space<vmem>>) offsets(%dma_start3A_54 : memref<128xi32, #tpu.memory_space<vmem>>) semaphore(%arg14 : memref<!tpu.dma_semaphore, #tpu.memory_space<semaphore_mem>>)
    %add3A_58 = arith.constant 256 : i32
    %add3A_59 = arith.addi %mul3A_2, %add3A_58 : i32
    %dma_start3A_60 = arith.constant 2 : i32
    %dma_start3A_61 = arith.constant 0 : i32
    %dma_start3A_62 = arith.constant 0 : i32
    %dma_start3A_63 = tpu.memref_slice %arg7[%dma_start3A_60, %dma_start3A_61, %dma_start3A_62] : memref<3x128x128xf32, #tpu.memory_space<vmem>> -> memref<1x128x128xf32, #tpu.memory_space<vmem>>
    %dma_start3A_64 = tpu.memref_squeeze %dma_start3A_63 : memref<1x128x128xf32, #tpu.memory_space<vmem>> -> memref<128x128xf32, #tpu.memory_space<vmem>>
    %dma_start3A_65 = arith.constant 0 : i32
    %dma_start3A_66 = tpu.memref_slice %arg2[%add3A_59, %dma_start3A_65] : memref<16384x128xf32, #tpu.memory_space<hbm>> -> memref<128x128xf32, #tpu.memory_space<hbm>>
    %dma_start3A_67 = arith.constant 0 : i32
    %dma_start3A_68 = arith.constant 0 : i32
    %dma_start3A_69 = tpu.memref_slice %arg7[%dma_start3A_60, %dma_start3A_67, %dma_start3A_68] : memref<3x128x128xf32, #tpu.memory_space<vmem>> -> memref<1x128x128xf32, #tpu.memory_space<vmem>>
    %dma_start3A_70 = tpu.memref_squeeze %dma_start3A_69 : memref<1x128x128xf32, #tpu.memory_space<vmem>> -> memref<128x128xf32, #tpu.memory_space<vmem>>
    %dma_start3A_71 = arith.constant 0 : i32
    %dma_start3A_72 = tpu.memref_slice %arg2[%add3A_59, %dma_start3A_71] : memref<16384x128xf32, #tpu.memory_space<hbm>> -> memref<128x128xf32, #tpu.memory_space<hbm>>
    tpu.enqueue_dma source(%dma_start3A_72 : memref<128x128xf32, #tpu.memory_space<hbm>>) target(%dma_start3A_70 : memref<128x128xf32, #tpu.memory_space<vmem>>) target_semaphore(%arg12 : memref<!tpu.dma_semaphore, #tpu.memory_space<semaphore_mem>>)
    %dma_start3A_73 = arith.constant 2 : i32
    %dma_start3A_74 = arith.constant 2 : i32
    %dma_start3A_75 = arith.constant 0 : i32
    %dma_start3A_76 = arith.constant 0 : i32
    %dma_start3A_77 = tpu.memref_slice %arg8[%dma_start3A_74, %dma_start3A_75, %dma_start3A_76] : memref<3x128x64xf32, #tpu.memory_space<vmem>> -> memref<1x128x64xf32, #tpu.memory_space<vmem>>
    %dma_start3A_78 = tpu.memref_squeeze %dma_start3A_77 : memref<1x128x64xf32, #tpu.memory_space<vmem>> -> memref<128x64xf32, #tpu.memory_space<vmem>>
    %dma_start3A_79 = arith.constant 0 : i32
    %dma_start3A_80 = tpu.memref_slice %arg6[%dma_start3A_73, %dma_start3A_79] : memref<4x128xi32, #tpu.memory_space<vmem>> -> memref<1x128xi32, #tpu.memory_space<vmem>>
    %dma_start3A_81 = tpu.memref_squeeze %dma_start3A_80 : memref<1x128xi32, #tpu.memory_space<vmem>> -> memref<128xi32, #tpu.memory_space<vmem>>
    %dma_start3A_82 = arith.constant 0 : i32
    %dma_start3A_83 = arith.constant 0 : i32
    %dma_start3A_84 = tpu.memref_slice %arg4[%dma_start3A_82, %dma_start3A_83] : memref<1000x64xf32, #tpu.memory_space<hbm>> -> memref<1000x64xf32, #tpu.memory_space<hbm>>
    tpu.enqueue_indirect_dma source(%dma_start3A_84 : memref<1000x64xf32, #tpu.memory_space<hbm>>) target(%dma_start3A_78 : memref<128x64xf32, #tpu.memory_space<vmem>>) offsets(%dma_start3A_81 : memref<128xi32, #tpu.memory_space<vmem>>) semaphore(%arg15 : memref<!tpu.dma_semaphore, #tpu.memory_space<semaphore_mem>>)
    %broadcast_in_dim3A = arith.constant 0.000000e+00 : f32
    %broadcast_in_dim3A_85 = vector.broadcast %broadcast_in_dim3A : f32 to vector<16xf32>
    %broadcast_in_dim3A_86 = arith.constant 0.000000e+00 : f32
    %broadcast_in_dim3A_87 = vector.broadcast %broadcast_in_dim3A_86 : f32 to vector<16xf32>
    %broadcast_in_dim3A_88 = arith.constant 0.000000e+00 : f32
    %broadcast_in_dim3A_89 = vector.broadcast %broadcast_in_dim3A_88 : f32 to vector<16xf32>
    %broadcast_in_dim3A_90 = arith.constant 0.000000e+00 : f32
    %broadcast_in_dim3A_91 = vector.broadcast %broadcast_in_dim3A_90 : f32 to vector<16xf32>
    %broadcast_in_dim3A_92 = arith.constant 0.000000e+00 : f32
    %broadcast_in_dim3A_93 = vector.broadcast %broadcast_in_dim3A_92 : f32 to vector<16xf32>
    %broadcast_in_dim3A_94 = arith.constant 0.000000e+00 : f32
    %broadcast_in_dim3A_95 = vector.broadcast %broadcast_in_dim3A_94 : f32 to vector<16xf32>
    %broadcast_in_dim3A_96 = arith.constant 0.000000e+00 : f32
    %broadcast_in_dim3A_97 = vector.broadcast %broadcast_in_dim3A_96 : f32 to vector<16xf32>
    %broadcast_in_dim3A_98 = arith.constant 0.000000e+00 : f32
    %broadcast_in_dim3A_99 = vector.broadcast %broadcast_in_dim3A_98 : f32 to vector<16xf32>
    %dma_wait3A = arith.constant 0 : i32
    %dma_wait3A_100 = arith.constant 0 : i32
    %dma_wait3A_101 = arith.constant 0 : i32
    %dma_wait3A_102 = tpu.memref_slice %arg7[%dma_wait3A, %dma_wait3A_100, %dma_wait3A_101] : memref<3x128x128xf32, #tpu.memory_space<vmem>> -> memref<1x128x128xf32, #tpu.memory_space<vmem>>
    %dma_wait3A_103 = tpu.memref_squeeze %dma_wait3A_102 : memref<1x128x128xf32, #tpu.memory_space<vmem>> -> memref<128x128xf32, #tpu.memory_space<vmem>>
    %dma_wait3A_104 = arith.constant 0 : i32
    %dma_wait3A_105 = tpu.memref_slice %arg2[%add3A_6, %dma_wait3A_104] : memref<16384x128xf32, #tpu.memory_space<hbm>> -> memref<128x128xf32, #tpu.memory_space<hbm>>
    %dma_wait3A_106 = arith.constant 0 : i32
    %dma_wait3A_107 = arith.constant 0 : i32
    %dma_wait3A_108 = tpu.memref_slice %arg7[%dma_wait3A, %dma_wait3A_106, %dma_wait3A_107] : memref<3x128x128xf32, #tpu.memory_space<vmem>> -> memref<1x128x128xf32, #tpu.memory_space<vmem>>
    %dma_wait3A_109 = tpu.memref_squeeze %dma_wait3A_108 : memref<1x128x128xf32, #tpu.memory_space<vmem>> -> memref<128x128xf32, #tpu.memory_space<vmem>>
    %dma_wait3A_110 = arith.constant 0 : i32
    %dma_wait3A_111 = tpu.memref_slice %arg2[%add3A_6, %dma_wait3A_110] : memref<16384x128xf32, #tpu.memory_space<hbm>> -> memref<128x128xf32, #tpu.memory_space<hbm>>
    tpu.wait_dma2 semaphore(%arg10 : memref<!tpu.dma_semaphore, #tpu.memory_space<semaphore_mem>>) src(%dma_wait3A_111 : memref<128x128xf32, #tpu.memory_space<hbm>>) dst(%dma_wait3A_109 : memref<128x128xf32, #tpu.memory_space<vmem>>)
    %dma_wait3A_112 = arith.constant 0 : i32
    %dma_wait3A_113 = arith.constant 0 : i32
    %dma_wait3A_114 = arith.constant 0 : i32
    %dma_wait3A_115 = arith.constant 0 : i32
    %dma_wait3A_116 = tpu.memref_slice %arg8[%dma_wait3A_113, %dma_wait3A_114, %dma_wait3A_115] : memref<3x128x64xf32, #tpu.memory_space<vmem>> -> memref<1x128x64xf32, #tpu.memory_space<vmem>>
    %dma_wait3A_117 = tpu.memref_squeeze %dma_wait3A_116 : memref<1x128x64xf32, #tpu.memory_space<vmem>> -> memref<128x64xf32, #tpu.memory_space<vmem>>
    %dma_wait3A_118 = arith.constant 0 : i32
    %dma_wait3A_119 = tpu.memref_slice %arg6[%dma_wait3A_112, %dma_wait3A_118] : memref<4x128xi32, #tpu.memory_space<vmem>> -> memref<1x128xi32, #tpu.memory_space<vmem>>
    %dma_wait3A_120 = tpu.memref_squeeze %dma_wait3A_119 : memref<1x128xi32, #tpu.memory_space<vmem>> -> memref<128xi32, #tpu.memory_space<vmem>>
    %dma_wait3A_121 = arith.constant 0 : i32
    %dma_wait3A_122 = arith.constant 0 : i32
    %dma_wait3A_123 = tpu.memref_slice %arg4[%dma_wait3A_121, %dma_wait3A_122] : memref<1000x64xf32, #tpu.memory_space<hbm>> -> memref<1000x64xf32, #tpu.memory_space<hbm>>
    tpu.wait_indirect_dma semaphore(%arg13 : memref<!tpu.dma_semaphore, #tpu.memory_space<semaphore_mem>>) src(%dma_wait3A_123 : memref<1000x64xf32, #tpu.memory_space<hbm>>) dst(%dma_wait3A_117 : memref<128x64xf32, #tpu.memory_space<vmem>>)
    %add3A_124 = arith.constant 384 : i32
    %add3A_125 = arith.addi %mul3A_2, %add3A_124 : i32
    %dma_start3A_126 = arith.constant 0 : i32
    %dma_start3A_127 = arith.constant 0 : i32
    %dma_start3A_128 = arith.constant 0 : i32
    %dma_start3A_129 = tpu.memref_slice %arg7[%dma_start3A_126, %dma_start3A_127, %dma_start3A_128] : memref<3x128x128xf32, #tpu.memory_space<vmem>> -> memref<1x128x128xf32, #tpu.memory_space<vmem>>
    %dma_start3A_130 = tpu.memref_squeeze %dma_start3A_129 : memref<1x128x128xf32, #tpu.memory_space<vmem>> -> memref<128x128xf32, #tpu.memory_space<vmem>>
    %dma_start3A_131 = arith.constant 0 : i32
    %dma_start3A_132 = tpu.memref_slice %arg2[%add3A_125, %dma_start3A_131] : memref<16384x128xf32, #tpu.memory_space<hbm>> -> memref<128x128xf32, #tpu.memory_space<hbm>>
    %dma_start3A_133 = arith.constant 0 : i32
    %dma_start3A_134 = arith.constant 0 : i32
    %dma_start3A_135 = tpu.memref_slice %arg7[%dma_start3A_126, %dma_start3A_133, %dma_start3A_134] : memref<3x128x128xf32, #tpu.memory_space<vmem>> -> memref<1x128x128xf32, #tpu.memory_space<vmem>>
    %dma_start3A_136 = tpu.memref_squeeze %dma_start3A_135 : memref<1x128x128xf32, #tpu.memory_space<vmem>> -> memref<128x128xf32, #tpu.memory_space<vmem>>
    %dma_start3A_137 = arith.constant 0 : i32
    %dma_start3A_138 = tpu.memref_slice %arg2[%add3A_125, %dma_start3A_137] : memref<16384x128xf32, #tpu.memory_space<hbm>> -> memref<128x128xf32, #tpu.memory_space<hbm>>
    tpu.enqueue_dma source(%dma_start3A_138 : memref<128x128xf32, #tpu.memory_space<hbm>>) target(%dma_start3A_136 : memref<128x128xf32, #tpu.memory_space<vmem>>) target_semaphore(%arg10 : memref<!tpu.dma_semaphore, #tpu.memory_space<semaphore_mem>>)
    %dma_start3A_139 = arith.constant 3 : i32
    %dma_start3A_140 = arith.constant 0 : i32
    %dma_start3A_141 = arith.constant 0 : i32
    %dma_start3A_142 = arith.constant 0 : i32
    %dma_start3A_143 = tpu.memref_slice %arg8[%dma_start3A_140, %dma_start3A_141, %dma_start3A_142] : memref<3x128x64xf32, #tpu.memory_space<vmem>> -> memref<1x128x64xf32, #tpu.memory_space<vmem>>
    %dma_start3A_144 = tpu.memref_squeeze %dma_start3A_143 : memref<1x128x64xf32, #tpu.memory_space<vmem>> -> memref<128x64xf32, #tpu.memory_space<vmem>>
    %dma_start3A_145 = arith.constant 0 : i32
    %dma_start3A_146 = tpu.memref_slice %arg6[%dma_start3A_139, %dma_start3A_145] : memref<4x128xi32, #tpu.memory_space<vmem>> -> memref<1x128xi32, #tpu.memory_space<vmem>>
    %dma_start3A_147 = tpu.memref_squeeze %dma_start3A_146 : memref<1x128xi32, #tpu.memory_space<vmem>> -> memref<128xi32, #tpu.memory_space<vmem>>
    %dma_start3A_148 = arith.constant 0 : i32
    %dma_start3A_149 = arith.constant 0 : i32
    %dma_start3A_150 = tpu.memref_slice %arg4[%dma_start3A_148, %dma_start3A_149] : memref<1000x64xf32, #tpu.memory_space<hbm>> -> memref<1000x64xf32, #tpu.memory_space<hbm>>
    tpu.enqueue_indirect_dma source(%dma_start3A_150 : memref<1000x64xf32, #tpu.memory_space<hbm>>) target(%dma_start3A_144 : memref<128x64xf32, #tpu.memory_space<vmem>>) offsets(%dma_start3A_147 : memref<128xi32, #tpu.memory_space<vmem>>) semaphore(%arg13 : memref<!tpu.dma_semaphore, #tpu.memory_space<semaphore_mem>>)
    %scan3A = arith.constant 0 : i32
    %scan3A_151 = arith.constant 64 : i32
    %scan3A_152 = arith.addi %scan3A, %scan3A_151 : i32
    %scan3A_153 = arith.constant 1 : i32
    %scan3A_154:8 = scf.for %scan3A_259 = %scan3A to %scan3A_152 step %scan3A_153 iter_args(%scan3A_260 = %broadcast_in_dim3A_85, %scan3A_261 = %broadcast_in_dim3A_87, %scan3A_262 = %broadcast_in_dim3A_89, %scan3A_263 = %broadcast_in_dim3A_91, %scan3A_264 = %broadcast_in_dim3A_93, %scan3A_265 = %broadcast_in_dim3A_95, %scan3A_266 = %broadcast_in_dim3A_97, %scan3A_267 = %broadcast_in_dim3A_99) -> (vector<16xf32>, vector<16xf32>, vector<16xf32>, vector<16xf32>, vector<16xf32>, vector<16xf32>, vector<16xf32>, vector<16xf32>)  : i32 {
      %mul3A_268 = arith.constant 2 : i32
      %mul3A_269 = arith.muli %scan3A_259, %mul3A_268 : i32
      %add3A_270 = arith.constant 0 : i32
      %add3A_271 = arith.addi %mul3A_269, %add3A_270 : i32
      %get3A = arith.constant 0 : i32
      %get3A_272 = arith.index_cast %get3A : i32 to index
      %get3A_273 = arith.index_cast %add3A_271 : i32 to index
      %get3A_274 = arith.constant 0 : index
      %get3A_275 = tpu.vector_load %arg8[%get3A_272, %get3A_273, %get3A_274] {strides = array<i32>} : memref<3x128x64xf32, #tpu.memory_space<vmem>>, vector<1x1x16xf32>,
      %get3A_276 = vector.shape_cast %get3A_275 : vector<1x1x16xf32> to vector<16xf32>
      %bitcast_convert_type3A = tpu.bitcast %get3A_276 : vector<16xf32> -> vector<16xi32>
      %shift_left3A = arith.constant 16 : i32
      %shift_left3A_277 = vector.broadcast %shift_left3A : i32 to vector<16xi32>
      %shift_left3A_278 = arith.shli %bitcast_convert_type3A, %shift_left3A_277 : vector<16xi32>
      %bitcast_convert_type3A_279 = tpu.bitcast %shift_left3A_278 : vector<16xi32> -> vector<16xf32>
      %and3A = arith.constant -65536 : i32
      %and3A_280 = vector.broadcast %and3A : i32 to vector<16xi32>
      %and3A_281 = arith.andi %bitcast_convert_type3A, %and3A_280 : vector<16xi32>
      %bitcast_convert_type3A_282 = tpu.bitcast %and3A_281 : vector<16xi32> -> vector<16xf32>
      %get3A_283 = arith.constant 0 : i32
      %get3A_284 = arith.index_cast %get3A_283 : i32 to index
      %get3A_285 = arith.index_cast %add3A_271 : i32 to index
      %get3A_286 = arith.constant 0 : index
      %get3A_287 = tpu.vector_load %arg7[%get3A_284, %get3A_285, %get3A_286] {strides = array<i32>} : memref<3x128x128xf32, #tpu.memory_space<vmem>>, vector<1x1x16xf32>,
      %get3A_288 = vector.shape_cast %get3A_287 : vector<1x1x16xf32> to vector<16xf32>
      %get3A_289 = arith.constant 0 : i32
      %get3A_290 = arith.index_cast %get3A_289 : i32 to index
      %get3A_291 = arith.index_cast %add3A_271 : i32 to index
      %get3A_292 = arith.constant 16 : index
      %get3A_293 = tpu.vector_load %arg7[%get3A_290, %get3A_291, %get3A_292] {strides = array<i32>} : memref<3x128x128xf32, #tpu.memory_space<vmem>>, vector<1x1x16xf32>,
      %get3A_294 = vector.shape_cast %get3A_293 : vector<1x1x16xf32> to vector<16xf32>
      %sub3A = arith.subf %get3A_288, %bitcast_convert_type3A_279 : vector<16xf32>
      %sub3A_295 = arith.subf %get3A_294, %bitcast_convert_type3A_282 : vector<16xf32>
      %mul3A_296 = arith.mulf %sub3A, %sub3A : vector<16xf32>
      %add3A_297 = arith.addf %scan3A_260, %mul3A_296 : vector<16xf32>
      %mul3A_298 = arith.mulf %sub3A_295, %sub3A_295 : vector<16xf32>
      %add3A_299 = arith.addf %scan3A_261, %mul3A_298 : vector<16xf32>
      %get3A_300 = arith.constant 0 : i32
      %get3A_301 = arith.index_cast %get3A_300 : i32 to index
      %get3A_302 = arith.index_cast %add3A_271 : i32 to index
      %get3A_303 = arith.constant 16 : index
      %get3A_304 = tpu.vector_load %arg8[%get3A_301, %get3A_302, %get3A_303] {strides = array<i32>} : memref<3x128x64xf32, #tpu.memory_space<vmem>>, vector<1x1x16xf32>,
      %get3A_305 = vector.shape_cast %get3A_304 : vector<1x1x16xf32> to vector<16xf32>
      %bitcast_convert_type3A_306 = tpu.bitcast %get3A_305 : vector<16xf32> -> vector<16xi32>
      %shift_left3A_307 = arith.constant 16 : i32
      %shift_left3A_308 = vector.broadcast %shift_left3A_307 : i32 to vector<16xi32>
      %shift_left3A_309 = arith.shli %bitcast_convert_type3A_306, %shift_left3A_308 : vector<16xi32>
      %bitcast_convert_type3A_310 = tpu.bitcast %shift_left3A_309 : vector<16xi32> -> vector<16xf32>
      %and3A_311 = arith.constant -65536 : i32
      %and3A_312 = vector.broadcast %and3A_311 : i32 to vector<16xi32>
      %and3A_313 = arith.andi %bitcast_convert_type3A_306, %and3A_312 : vector<16xi32>
      %bitcast_convert_type3A_314 = tpu.bitcast %and3A_313 : vector<16xi32> -> vector<16xf32>
      %get3A_315 = arith.constant 0 : i32
      %get3A_316 = arith.index_cast %get3A_315 : i32 to index
      %get3A_317 = arith.index_cast %add3A_271 : i32 to index
      %get3A_318 = arith.constant 32 : index
      %get3A_319 = tpu.vector_load %arg7[%get3A_316, %get3A_317, %get3A_318] {strides = array<i32>} : memref<3x128x128xf32, #tpu.memory_space<vmem>>, vector<1x1x16xf32>,
      %get3A_320 = vector.shape_cast %get3A_319 : vector<1x1x16xf32> to vector<16xf32>
      %get3A_321 = arith.constant 0 : i32
      %get3A_322 = arith.index_cast %get3A_321 : i32 to index
      %get3A_323 = arith.index_cast %add3A_271 : i32 to index
      %get3A_324 = arith.constant 48 : index
      %get3A_325 = tpu.vector_load %arg7[%get3A_322, %get3A_323, %get3A_324] {strides = array<i32>} : memref<3x128x128xf32, #tpu.memory_space<vmem>>, vector<1x1x16xf32>,
      %get3A_326 = vector.shape_cast %get3A_325 : vector<1x1x16xf32> to vector<16xf32>
      %sub3A_327 = arith.subf %get3A_320, %bitcast_convert_type3A_310 : vector<16xf32>
      %sub3A_328 = arith.subf %get3A_326, %bitcast_convert_type3A_314 : vector<16xf32>
      %mul3A_329 = arith.mulf %sub3A_327, %sub3A_327 : vector<16xf32>
      %add3A_330 = arith.addf %scan3A_262, %mul3A_329 : vector<16xf32>
      %mul3A_331 = arith.mulf %sub3A_328, %sub3A_328 : vector<16xf32>
      %add3A_332 = arith.addf %scan3A_263, %mul3A_331 : vector<16xf32>
      %get3A_333 = arith.constant 0 : i32
      %get3A_334 = arith.index_cast %get3A_333 : i32 to index
      %get3A_335 = arith.index_cast %add3A_271 : i32 to index
      %get3A_336 = arith.constant 32 : index
      %get3A_337 = tpu.vector_load %arg8[%get3A_334, %get3A_335, %get3A_336] {strides = array<i32>} : memref<3x128x64xf32, #tpu.memory_space<vmem>>, vector<1x1x16xf32>,
      %get3A_338 = vector.shape_cast %get3A_337 : vector<1x1x16xf32> to vector<16xf32>
      %bitcast_convert_type3A_339 = tpu.bitcast %get3A_338 : vector<16xf32> -> vector<16xi32>
      %shift_left3A_340 = arith.constant 16 : i32
      %shift_left3A_341 = vector.broadcast %shift_left3A_340 : i32 to vector<16xi32>
      %shift_left3A_342 = arith.shli %bitcast_convert_type3A_339, %shift_left3A_341 : vector<16xi32>
      %bitcast_convert_type3A_343 = tpu.bitcast %shift_left3A_342 : vector<16xi32> -> vector<16xf32>
      %and3A_344 = arith.constant -65536 : i32
      %and3A_345 = vector.broadcast %and3A_344 : i32 to vector<16xi32>
      %and3A_346 = arith.andi %bitcast_convert_type3A_339, %and3A_345 : vector<16xi32>
      %bitcast_convert_type3A_347 = tpu.bitcast %and3A_346 : vector<16xi32> -> vector<16xf32>
      %get3A_348 = arith.constant 0 : i32
      %get3A_349 = arith.index_cast %get3A_348 : i32 to index
      %get3A_350 = arith.index_cast %add3A_271 : i32 to index
      %get3A_351 = arith.constant 64 : index
      %get3A_352 = tpu.vector_load %arg7[%get3A_349, %get3A_350, %get3A_351] {strides = array<i32>} : memref<3x128x128xf32, #tpu.memory_space<vmem>>, vector<1x1x16xf32>,
      %get3A_353 = vector.shape_cast %get3A_352 : vector<1x1x16xf32> to vector<16xf32>
      %get3A_354 = arith.constant 0 : i32
      %get3A_355 = arith.index_cast %get3A_354 : i32 to index
      %get3A_356 = arith.index_cast %add3A_271 : i32 to index
      %get3A_357 = arith.constant 80 : index
      %get3A_358 = tpu.vector_load %arg7[%get3A_355, %get3A_356, %get3A_357] {strides = array<i32>} : memref<3x128x128xf32, #tpu.memory_space<vmem>>, vector<1x1x16xf32>,
      %get3A_359 = vector.shape_cast %get3A_358 : vector<1x1x16xf32> to vector<16xf32>
      %sub3A_360 = arith.subf %get3A_353, %bitcast_convert_type3A_343 : vector<16xf32>
      %sub3A_361 = arith.subf %get3A_359, %bitcast_convert_type3A_347 : vector<16xf32>
      %mul3A_362 = arith.mulf %sub3A_360, %sub3A_360 : vector<16xf32>
      %add3A_363 = arith.addf %scan3A_264, %mul3A_362 : vector<16xf32>
      %mul3A_364 = arith.mulf %sub3A_361, %sub3A_361 : vector<16xf32>
      %add3A_365 = arith.addf %scan3A_265, %mul3A_364 : vector<16xf32>
      %get3A_366 = arith.constant 0 : i32
      %get3A_367 = arith.index_cast %get3A_366 : i32 to index
      %get3A_368 = arith.index_cast %add3A_271 : i32 to index
      %get3A_369 = arith.constant 48 : index
      %get3A_370 = tpu.vector_load %arg8[%get3A_367, %get3A_368, %get3A_369] {strides = array<i32>} : memref<3x128x64xf32, #tpu.memory_space<vmem>>, vector<1x1x16xf32>,
      %get3A_371 = vector.shape_cast %get3A_370 : vector<1x1x16xf32> to vector<16xf32>
      %bitcast_convert_type3A_372 = tpu.bitcast %get3A_371 : vector<16xf32> -> vector<16xi32>
      %shift_left3A_373 = arith.constant 16 : i32
      %shift_left3A_374 = vector.broadcast %shift_left3A_373 : i32 to vector<16xi32>
      %shift_left3A_375 = arith.shli %bitcast_convert_type3A_372, %shift_left3A_374 : vector<16xi32>
      %bitcast_convert_type3A_376 = tpu.bitcast %shift_left3A_375 : vector<16xi32> -> vector<16xf32>
      %and3A_377 = arith.constant -65536 : i32
      %and3A_378 = vector.broadcast %and3A_377 : i32 to vector<16xi32>
      %and3A_379 = arith.andi %bitcast_convert_type3A_372, %and3A_378 : vector<16xi32>
      %bitcast_convert_type3A_380 = tpu.bitcast %and3A_379 : vector<16xi32> -> vector<16xf32>
      %get3A_381 = arith.constant 0 : i32
      %get3A_382 = arith.index_cast %get3A_381 : i32 to index
      %get3A_383 = arith.index_cast %add3A_271 : i32 to index
      %get3A_384 = arith.constant 96 : index
      %get3A_385 = tpu.vector_load %arg7[%get3A_382, %get3A_383, %get3A_384] {strides = array<i32>} : memref<3x128x128xf32, #tpu.memory_space<vmem>>, vector<1x1x16xf32>,
      %get3A_386 = vector.shape_cast %get3A_385 : vector<1x1x16xf32> to vector<16xf32>
      %get3A_387 = arith.constant 0 : i32
      %get3A_388 = arith.index_cast %get3A_387 : i32 to index
      %get3A_389 = arith.index_cast %add3A_271 : i32 to index
      %get3A_390 = arith.constant 112 : index
      %get3A_391 = tpu.vector_load %arg7[%get3A_388, %get3A_389, %get3A_390] {strides = array<i32>} : memref<3x128x128xf32, #tpu.memory_space<vmem>>, vector<1x1x16xf32>,
      %get3A_392 = vector.shape_cast %get3A_391 : vector<1x1x16xf32> to vector<16xf32>
      %sub3A_393 = arith.subf %get3A_386, %bitcast_convert_type3A_376 : vector<16xf32>
      %sub3A_394 = arith.subf %get3A_392, %bitcast_convert_type3A_380 : vector<16xf32>
      %mul3A_395 = arith.mulf %sub3A_393, %sub3A_393 : vector<16xf32>
      %add3A_396 = arith.addf %scan3A_266, %mul3A_395 : vector<16xf32>
      %mul3A_397 = arith.mulf %sub3A_394, %sub3A_394 : vector<16xf32>
      %add3A_398 = arith.addf %scan3A_267, %mul3A_397 : vector<16xf32>
      %mul3A_399 = arith.constant 2 : i32
      %mul3A_400 = arith.muli %scan3A_259, %mul3A_399 : i32
      %add3A_401 = arith.constant 1 : i32
      %add3A_402 = arith.addi %mul3A_400, %add3A_401 : i32
      %get3A_403 = arith.constant 0 : i32
      %get3A_404 = arith.index_cast %get3A_403 : i32 to index
      %get3A_405 = arith.index_cast %add3A_402 : i32 to index
      %get3A_406 = arith.constant 0 : index
      %get3A_407 = tpu.vector_load %arg8[%get3A_404, %get3A_405, %get3A_406] {strides = array<i32>} : memref<3x128x64xf32, #tpu.memory_space<vmem>>, vector<1x1x16xf32>,
      %get3A_408 = vector.shape_cast %get3A_407 : vector<1x1x16xf32> to vector<16xf32>
      %bitcast_convert_type3A_409 = tpu.bitcast %get3A_408 : vector<16xf32> -> vector<16xi32>
      %shift_left3A_410 = arith.constant 16 : i32
      %shift_left3A_411 = vector.broadcast %shift_left3A_410 : i32 to vector<16xi32>
      %shift_left3A_412 = arith.shli %bitcast_convert_type3A_409, %shift_left3A_411 : vector<16xi32>
      %bitcast_convert_type3A_413 = tpu.bitcast %shift_left3A_412 : vector<16xi32> -> vector<16xf32>
      %and3A_414 = arith.constant -65536 : i32
      %and3A_415 = vector.broadcast %and3A_414 : i32 to vector<16xi32>
      %and3A_416 = arith.andi %bitcast_convert_type3A_409, %and3A_415 : vector<16xi32>
      %bitcast_convert_type3A_417 = tpu.bitcast %and3A_416 : vector<16xi32> -> vector<16xf32>
      %get3A_418 = arith.constant 0 : i32
      %get3A_419 = arith.index_cast %get3A_418 : i32 to index
      %get3A_420 = arith.index_cast %add3A_402 : i32 to index
      %get3A_421 = arith.constant 0 : index
      %get3A_422 = tpu.vector_load %arg7[%get3A_419, %get3A_420, %get3A_421] {strides = array<i32>} : memref<3x128x128xf32, #tpu.memory_space<vmem>>, vector<1x1x16xf32>,
      %get3A_423 = vector.shape_cast %get3A_422 : vector<1x1x16xf32> to vector<16xf32>
      %get3A_424 = arith.constant 0 : i32
      %get3A_425 = arith.index_cast %get3A_424 : i32 to index
      %get3A_426 = arith.index_cast %add3A_402 : i32 to index
      %get3A_427 = arith.constant 16 : index
      %get3A_428 = tpu.vector_load %arg7[%get3A_425, %get3A_426, %get3A_427] {strides = array<i32>} : memref<3x128x128xf32, #tpu.memory_space<vmem>>, vector<1x1x16xf32>,
      %get3A_429 = vector.shape_cast %get3A_428 : vector<1x1x16xf32> to vector<16xf32>
      %sub3A_430 = arith.subf %get3A_423, %bitcast_convert_type3A_413 : vector<16xf32>
      %sub3A_431 = arith.subf %get3A_429, %bitcast_convert_type3A_417 : vector<16xf32>
      %mul3A_432 = arith.mulf %sub3A_430, %sub3A_430 : vector<16xf32>
      %add3A_433 = arith.addf %add3A_297, %mul3A_432 : vector<16xf32>
      %mul3A_434 = arith.mulf %sub3A_431, %sub3A_431 : vector<16xf32>
      %add3A_435 = arith.addf %add3A_299, %mul3A_434 : vector<16xf32>
      %get3A_436 = arith.constant 0 : i32
      %get3A_437 = arith.index_cast %get3A_436 : i32 to index
      %get3A_438 = arith.index_cast %add3A_402 : i32 to index
      %get3A_439 = arith.constant 16 : index
      %get3A_440 = tpu.vector_load %arg8[%get3A_437, %get3A_438, %get3A_439] {strides = array<i32>} : memref<3x128x64xf32, #tpu.memory_space<vmem>>, vector<1x1x16xf32>,
      %get3A_441 = vector.shape_cast %get3A_440 : vector<1x1x16xf32> to vector<16xf32>
      %bitcast_convert_type3A_442 = tpu.bitcast %get3A_441 : vector<16xf32> -> vector<16xi32>
      %shift_left3A_443 = arith.constant 16 : i32
      %shift_left3A_444 = vector.broadcast %shift_left3A_443 : i32 to vector<16xi32>
      %shift_left3A_445 = arith.shli %bitcast_convert_type3A_442, %shift_left3A_444 : vector<16xi32>
      %bitcast_convert_type3A_446 = tpu.bitcast %shift_left3A_445 : vector<16xi32> -> vector<16xf32>
      %and3A_447 = arith.constant -65536 : i32
      %and3A_448 = vector.broadcast %and3A_447 : i32 to vector<16xi32>
      %and3A_449 = arith.andi %bitcast_convert_type3A_442, %and3A_448 : vector<16xi32>
      %bitcast_convert_type3A_450 = tpu.bitcast %and3A_449 : vector<16xi32> -> vector<16xf32>
      %get3A_451 = arith.constant 0 : i32
      %get3A_452 = arith.index_cast %get3A_451 : i32 to index
      %get3A_453 = arith.index_cast %add3A_402 : i32 to index
      %get3A_454 = arith.constant 32 : index
      %get3A_455 = tpu.vector_load %arg7[%get3A_452, %get3A_453, %get3A_454] {strides = array<i32>} : memref<3x128x128xf32, #tpu.memory_space<vmem>>, vector<1x1x16xf32>,
      %get3A_456 = vector.shape_cast %get3A_455 : vector<1x1x16xf32> to vector<16xf32>
      %get3A_457 = arith.constant 0 : i32
      %get3A_458 = arith.index_cast %get3A_457 : i32 to index
      %get3A_459 = arith.index_cast %add3A_402 : i32 to index
      %get3A_460 = arith.constant 48 : index
      %get3A_461 = tpu.vector_load %arg7[%get3A_458, %get3A_459, %get3A_460] {strides = array<i32>} : memref<3x128x128xf32, #tpu.memory_space<vmem>>, vector<1x1x16xf32>,
      %get3A_462 = vector.shape_cast %get3A_461 : vector<1x1x16xf32> to vector<16xf32>
      %sub3A_463 = arith.subf %get3A_456, %bitcast_convert_type3A_446 : vector<16xf32>
      %sub3A_464 = arith.subf %get3A_462, %bitcast_convert_type3A_450 : vector<16xf32>
      %mul3A_465 = arith.mulf %sub3A_463, %sub3A_463 : vector<16xf32>
      %add3A_466 = arith.addf %add3A_330, %mul3A_465 : vector<16xf32>
      %mul3A_467 = arith.mulf %sub3A_464, %sub3A_464 : vector<16xf32>
      %add3A_468 = arith.addf %add3A_332, %mul3A_467 : vector<16xf32>
      %get3A_469 = arith.constant 0 : i32
      %get3A_470 = arith.index_cast %get3A_469 : i32 to index
      %get3A_471 = arith.index_cast %add3A_402 : i32 to index
      %get3A_472 = arith.constant 32 : index
      %get3A_473 = tpu.vector_load %arg8[%get3A_470, %get3A_471, %get3A_472] {strides = array<i32>} : memref<3x128x64xf32, #tpu.memory_space<vmem>>, vector<1x1x16xf32>,
      %get3A_474 = vector.shape_cast %get3A_473 : vector<1x1x16xf32> to vector<16xf32>
      %bitcast_convert_type3A_475 = tpu.bitcast %get3A_474 : vector<16xf32> -> vector<16xi32>
      %shift_left3A_476 = arith.constant 16 : i32
      %shift_left3A_477 = vector.broadcast %shift_left3A_476 : i32 to vector<16xi32>
      %shift_left3A_478 = arith.shli %bitcast_convert_type3A_475, %shift_left3A_477 : vector<16xi32>
      %bitcast_convert_type3A_479 = tpu.bitcast %shift_left3A_478 : vector<16xi32> -> vector<16xf32>
      %and3A_480 = arith.constant -65536 : i32
      %and3A_481 = vector.broadcast %and3A_480 : i32 to vector<16xi32>
      %and3A_482 = arith.andi %bitcast_convert_type3A_475, %and3A_481 : vector<16xi32>
      %bitcast_convert_type3A_483 = tpu.bitcast %and3A_482 : vector<16xi32> -> vector<16xf32>
      %get3A_484 = arith.constant 0 : i32
      %get3A_485 = arith.index_cast %get3A_484 : i32 to index
      %get3A_486 = arith.index_cast %add3A_402 : i32 to index
      %get3A_487 = arith.constant 64 : index
      %get3A_488 = tpu.vector_load %arg7[%get3A_485, %get3A_486, %get3A_487] {strides = array<i32>} : memref<3x128x128xf32, #tpu.memory_space<vmem>>, vector<1x1x16xf32>,
      %get3A_489 = vector.shape_cast %get3A_488 : vector<1x1x16xf32> to vector<16xf32>
      %get3A_490 = arith.constant 0 : i32
      %get3A_491 = arith.index_cast %get3A_490 : i32 to index
      %get3A_492 = arith.index_cast %add3A_402 : i32 to index
      %get3A_493 = arith.constant 80 : index
      %get3A_494 = tpu.vector_load %arg7[%get3A_491, %get3A_492, %get3A_493] {strides = array<i32>} : memref<3x128x128xf32, #tpu.memory_space<vmem>>, vector<1x1x16xf32>,
      %get3A_495 = vector.shape_cast %get3A_494 : vector<1x1x16xf32> to vector<16xf32>
      %sub3A_496 = arith.subf %get3A_489, %bitcast_convert_type3A_479 : vector<16xf32>
      %sub3A_497 = arith.subf %get3A_495, %bitcast_convert_type3A_483 : vector<16xf32>
      %mul3A_498 = arith.mulf %sub3A_496, %sub3A_496 : vector<16xf32>
      %add3A_499 = arith.addf %add3A_363, %mul3A_498 : vector<16xf32>
      %mul3A_500 = arith.mulf %sub3A_497, %sub3A_497 : vector<16xf32>
      %add3A_501 = arith.addf %add3A_365, %mul3A_500 : vector<16xf32>
      %get3A_502 = arith.constant 0 : i32
      %get3A_503 = arith.index_cast %get3A_502 : i32 to index
      %get3A_504 = arith.index_cast %add3A_402 : i32 to index
      %get3A_505 = arith.constant 48 : index
      %get3A_506 = tpu.vector_load %arg8[%get3A_503, %get3A_504, %get3A_505] {strides = array<i32>} : memref<3x128x64xf32, #tpu.memory_space<vmem>>, vector<1x1x16xf32>,
      %get3A_507 = vector.shape_cast %get3A_506 : vector<1x1x16xf32> to vector<16xf32>
      %bitcast_convert_type3A_508 = tpu.bitcast %get3A_507 : vector<16xf32> -> vector<16xi32>
      %shift_left3A_509 = arith.constant 16 : i32
      %shift_left3A_510 = vector.broadcast %shift_left3A_509 : i32 to vector<16xi32>
      %shift_left3A_511 = arith.shli %bitcast_convert_type3A_508, %shift_left3A_510 : vector<16xi32>
      %bitcast_convert_type3A_512 = tpu.bitcast %shift_left3A_511 : vector<16xi32> -> vector<16xf32>
      %and3A_513 = arith.constant -65536 : i32
      %and3A_514 = vector.broadcast %and3A_513 : i32 to vector<16xi32>
      %and3A_515 = arith.andi %bitcast_convert_type3A_508, %and3A_514 : vector<16xi32>
      %bitcast_convert_type3A_516 = tpu.bitcast %and3A_515 : vector<16xi32> -> vector<16xf32>
      %get3A_517 = arith.constant 0 : i32
      %get3A_518 = arith.index_cast %get3A_517 : i32 to index
      %get3A_519 = arith.index_cast %add3A_402 : i32 to index
      %get3A_520 = arith.constant 96 : index
      %get3A_521 = tpu.vector_load %arg7[%get3A_518, %get3A_519, %get3A_520] {strides = array<i32>} : memref<3x128x128xf32, #tpu.memory_space<vmem>>, vector<1x1x16xf32>,
      %get3A_522 = vector.shape_cast %get3A_521 : vector<1x1x16xf32> to vector<16xf32>
      %get3A_523 = arith.constant 0 : i32
      %get3A_524 = arith.index_cast %get3A_523 : i32 to index
      %get3A_525 = arith.index_cast %add3A_402 : i32 to index
      %get3A_526 = arith.constant 112 : index
      %get3A_527 = tpu.vector_load %arg7[%get3A_524, %get3A_525, %get3A_526] {strides = array<i32>} : memref<3x128x128xf32, #tpu.memory_space<vmem>>, vector<1x1x16xf32>,
      %get3A_528 = vector.shape_cast %get3A_527 : vector<1x1x16xf32> to vector<16xf32>
      %sub3A_529 = arith.subf %get3A_522, %bitcast_convert_type3A_512 : vector<16xf32>
      %sub3A_530 = arith.subf %get3A_528, %bitcast_convert_type3A_516 : vector<16xf32>
      %mul3A_531 = arith.mulf %sub3A_529, %sub3A_529 : vector<16xf32>
      %add3A_532 = arith.addf %add3A_396, %mul3A_531 : vector<16xf32>
      %mul3A_533 = arith.mulf %sub3A_530, %sub3A_530 : vector<16xf32>
      %add3A_534 = arith.addf %add3A_398, %mul3A_533 : vector<16xf32>
      scf.yield %add3A_433, %add3A_435, %add3A_466, %add3A_468, %add3A_499, %add3A_501, %add3A_532, %add3A_534 : vector<16xf32>, vector<16xf32>, vector<16xf32>, vector<16xf32>, vector<16xf32>, vector<16xf32>, vector<16xf32>, vector<16xf32>
    }
    %scan3A_155 = arith.constant 64 : i32
    %dma_wait3A_156 = arith.constant 1 : i32
    %dma_wait3A_157 = arith.constant 0 : i32
    %dma_wait3A_158 = arith.constant 0 : i32
    %dma_wait3A_159 = tpu.memref_slice %arg7[%dma_wait3A_156, %dma_wait3A_157, %dma_wait3A_158] : memref<3x128x128xf32, #tpu.memory_space<vmem>> -> memref<1x128x128xf32, #tpu.memory_space<vmem>>
    %dma_wait3A_160 = tpu.memref_squeeze %dma_wait3A_159 : memref<1x128x128xf32, #tpu.memory_space<vmem>> -> memref<128x128xf32, #tpu.memory_space<vmem>>
    %dma_wait3A_161 = arith.constant 0 : i32
    %dma_wait3A_162 = tpu.memref_slice %arg2[%add3A_32, %dma_wait3A_161] : memref<16384x128xf32, #tpu.memory_space<hbm>> -> memref<128x128xf32, #tpu.memory_space<hbm>>
    %dma_wait3A_163 = arith.constant 0 : i32
    %dma_wait3A_164 = arith.constant 0 : i32
    %dma_wait3A_165 = tpu.memref_slice %arg7[%dma_wait3A_156, %dma_wait3A_163, %dma_wait3A_164] : memref<3x128x128xf32, #tpu.memory_space<vmem>> -> memref<1x128x128xf32, #tpu.memory_space<vmem>>
    %dma_wait3A_166 = tpu.memref_squeeze %dma_wait3A_165 : memref<1x128x128xf32, #tpu.memory_space<vmem>> -> memref<128x128xf32, #tpu.memory_space<vmem>>
    %dma_wait3A_167 = arith.constant 0 : i32
    %dma_wait3A_168 = tpu.memref_slice %arg2[%add3A_32, %dma_wait3A_167] : memref<16384x128xf32, #tpu.memory_space<hbm>> -> memref<128x128xf32, #tpu.memory_space<hbm>>
    tpu.wait_dma2 semaphore(%arg11 : memref<!tpu.dma_semaphore, #tpu.memory_space<semaphore_mem>>) src(%dma_wait3A_168 : memref<128x128xf32, #tpu.memory_space<hbm>>) dst(%dma_wait3A_166 : memref<128x128xf32, #tpu.memory_space<vmem>>)
    %dma_wait3A_169 = arith.constant 1 : i32
    %dma_wait3A_170 = arith.constant 1 : i32
    %dma_wait3A_171 = arith.constant 0 : i32
    %dma_wait3A_172 = arith.constant 0 : i32
    %dma_wait3A_173 = tpu.memref_slice %arg8[%dma_wait3A_170, %dma_wait3A_171, %dma_wait3A_172] : memref<3x128x64xf32, #tpu.memory_space<vmem>> -> memref<1x128x64xf32, #tpu.memory_space<vmem>>
    %dma_wait3A_174 = tpu.memref_squeeze %dma_wait3A_173 : memref<1x128x64xf32, #tpu.memory_space<vmem>> -> memref<128x64xf32, #tpu.memory_space<vmem>>
    %dma_wait3A_175 = arith.constant 0 : i32
    %dma_wait3A_176 = tpu.memref_slice %arg6[%dma_wait3A_169, %dma_wait3A_175] : memref<4x128xi32, #tpu.memory_space<vmem>> -> memref<1x128xi32, #tpu.memory_space<vmem>>
    %dma_wait3A_177 = tpu.memref_squeeze %dma_wait3A_176 : memref<1x128xi32, #tpu.memory_space<vmem>> -> memref<128xi32, #tpu.memory_space<vmem>>
    %dma_wait3A_178 = arith.constant 0 : i32
    %dma_wait3A_179 = arith.constant 0 : i32
    %dma_wait3A_180 = tpu.memref_slice %arg4[%dma_wait3A_178, %dma_wait3A_179] : memref<1000x64xf32, #tpu.memory_space<hbm>> -> memref<1000x64xf32, #tpu.memory_space<hbm>>
    tpu.wait_indirect_dma semaphore(%arg14 : memref<!tpu.dma_semaphore, #tpu.memory_space<semaphore_mem>>) src(%dma_wait3A_180 : memref<1000x64xf32, #tpu.memory_space<hbm>>) dst(%dma_wait3A_174 : memref<128x64xf32, #tpu.memory_space<vmem>>)
    %scan3A_181 = arith.constant 0 : i32
    %scan3A_182 = arith.constant 64 : i32
    %scan3A_183 = arith.addi %scan3A_181, %scan3A_182 : i32
    %scan3A_184 = arith.constant 1 : i32
    %scan3A_185:8 = scf.for %scan3A_259 = %scan3A_181 to %scan3A_183 step %scan3A_184 iter_args(%scan3A_260 = %scan3A_154#0, %scan3A_261 = %scan3A_154#1, %scan3A_262 = %scan3A_154#2, %scan3A_263 = %scan3A_154#3, %scan3A_264 = %scan3A_154#4, %scan3A_265 = %scan3A_154#5, %scan3A_266 = %scan3A_154#6, %scan3A_267 = %scan3A_154#7) -> (vector<16xf32>, vector<16xf32>, vector<16xf32>, vector<16xf32>, vector<16xf32>, vector<16xf32>, vector<16xf32>, vector<16xf32>)  : i32 {
      %mul3A_268 = arith.constant 2 : i32
      %mul3A_269 = arith.muli %scan3A_259, %mul3A_268 : i32
      %add3A_270 = arith.constant 0 : i32
      %add3A_271 = arith.addi %mul3A_269, %add3A_270 : i32
      %get3A = arith.constant 1 : i32
      %get3A_272 = arith.index_cast %get3A : i32 to index
      %get3A_273 = arith.index_cast %add3A_271 : i32 to index
      %get3A_274 = arith.constant 0 : index
      %get3A_275 = tpu.vector_load %arg8[%get3A_272, %get3A_273, %get3A_274] {strides = array<i32>} : memref<3x128x64xf32, #tpu.memory_space<vmem>>, vector<1x1x16xf32>,
      %get3A_276 = vector.shape_cast %get3A_275 : vector<1x1x16xf32> to vector<16xf32>
      %bitcast_convert_type3A = tpu.bitcast %get3A_276 : vector<16xf32> -> vector<16xi32>
      %shift_left3A = arith.constant 16 : i32
      %shift_left3A_277 = vector.broadcast %shift_left3A : i32 to vector<16xi32>
      %shift_left3A_278 = arith.shli %bitcast_convert_type3A, %shift_left3A_277 : vector<16xi32>
      %bitcast_convert_type3A_279 = tpu.bitcast %shift_left3A_278 : vector<16xi32> -> vector<16xf32>
      %and3A = arith.constant -65536 : i32
      %and3A_280 = vector.broadcast %and3A : i32 to vector<16xi32>
      %and3A_281 = arith.andi %bitcast_convert_type3A, %and3A_280 : vector<16xi32>
      %bitcast_convert_type3A_282 = tpu.bitcast %and3A_281 : vector<16xi32> -> vector<16xf32>
      %get3A_283 = arith.constant 1 : i32
      %get3A_284 = arith.index_cast %get3A_283 : i32 to index
      %get3A_285 = arith.index_cast %add3A_271 : i32 to index
      %get3A_286 = arith.constant 0 : index
      %get3A_287 = tpu.vector_load %arg7[%get3A_284, %get3A_285, %get3A_286] {strides = array<i32>} : memref<3x128x128xf32, #tpu.memory_space<vmem>>, vector<1x1x16xf32>,
      %get3A_288 = vector.shape_cast %get3A_287 : vector<1x1x16xf32> to vector<16xf32>
      %get3A_289 = arith.constant 1 : i32
      %get3A_290 = arith.index_cast %get3A_289 : i32 to index
      %get3A_291 = arith.index_cast %add3A_271 : i32 to index
      %get3A_292 = arith.constant 16 : index
      %get3A_293 = tpu.vector_load %arg7[%get3A_290, %get3A_291, %get3A_292] {strides = array<i32>} : memref<3x128x128xf32, #tpu.memory_space<vmem>>, vector<1x1x16xf32>,
      %get3A_294 = vector.shape_cast %get3A_293 : vector<1x1x16xf32> to vector<16xf32>
      %sub3A = arith.subf %get3A_288, %bitcast_convert_type3A_279 : vector<16xf32>
      %sub3A_295 = arith.subf %get3A_294, %bitcast_convert_type3A_282 : vector<16xf32>
      %mul3A_296 = arith.mulf %sub3A, %sub3A : vector<16xf32>
      %add3A_297 = arith.addf %scan3A_260, %mul3A_296 : vector<16xf32>
      %mul3A_298 = arith.mulf %sub3A_295, %sub3A_295 : vector<16xf32>
      %add3A_299 = arith.addf %scan3A_261, %mul3A_298 : vector<16xf32>
      %get3A_300 = arith.constant 1 : i32
      %get3A_301 = arith.index_cast %get3A_300 : i32 to index
      %get3A_302 = arith.index_cast %add3A_271 : i32 to index
      %get3A_303 = arith.constant 16 : index
      %get3A_304 = tpu.vector_load %arg8[%get3A_301, %get3A_302, %get3A_303] {strides = array<i32>} : memref<3x128x64xf32, #tpu.memory_space<vmem>>, vector<1x1x16xf32>,
      %get3A_305 = vector.shape_cast %get3A_304 : vector<1x1x16xf32> to vector<16xf32>
      %bitcast_convert_type3A_306 = tpu.bitcast %get3A_305 : vector<16xf32> -> vector<16xi32>
      %shift_left3A_307 = arith.constant 16 : i32
      %shift_left3A_308 = vector.broadcast %shift_left3A_307 : i32 to vector<16xi32>
      %shift_left3A_309 = arith.shli %bitcast_convert_type3A_306, %shift_left3A_308 : vector<16xi32>
      %bitcast_convert_type3A_310 = tpu.bitcast %shift_left3A_309 : vector<16xi32> -> vector<16xf32>
      %and3A_311 = arith.constant -65536 : i32
      %and3A_312 = vector.broadcast %and3A_311 : i32 to vector<16xi32>
      %and3A_313 = arith.andi %bitcast_convert_type3A_306, %and3A_312 : vector<16xi32>
      %bitcast_convert_type3A_314 = tpu.bitcast %and3A_313 : vector<16xi32> -> vector<16xf32>
      %get3A_315 = arith.constant 1 : i32
      %get3A_316 = arith.index_cast %get3A_315 : i32 to index
      %get3A_317 = arith.index_cast %add3A_271 : i32 to index
      %get3A_318 = arith.constant 32 : index
      %get3A_319 = tpu.vector_load %arg7[%get3A_316, %get3A_317, %get3A_318] {strides = array<i32>} : memref<3x128x128xf32, #tpu.memory_space<vmem>>, vector<1x1x16xf32>,
      %get3A_320 = vector.shape_cast %get3A_319 : vector<1x1x16xf32> to vector<16xf32>
      %get3A_321 = arith.constant 1 : i32
      %get3A_322 = arith.index_cast %get3A_321 : i32 to index
      %get3A_323 = arith.index_cast %add3A_271 : i32 to index
      %get3A_324 = arith.constant 48 : index
      %get3A_325 = tpu.vector_load %arg7[%get3A_322, %get3A_323, %get3A_324] {strides = array<i32>} : memref<3x128x128xf32, #tpu.memory_space<vmem>>, vector<1x1x16xf32>,
      %get3A_326 = vector.shape_cast %get3A_325 : vector<1x1x16xf32> to vector<16xf32>
      %sub3A_327 = arith.subf %get3A_320, %bitcast_convert_type3A_310 : vector<16xf32>
      %sub3A_328 = arith.subf %get3A_326, %bitcast_convert_type3A_314 : vector<16xf32>
      %mul3A_329 = arith.mulf %sub3A_327, %sub3A_327 : vector<16xf32>
      %add3A_330 = arith.addf %scan3A_262, %mul3A_329 : vector<16xf32>
      %mul3A_331 = arith.mulf %sub3A_328, %sub3A_328 : vector<16xf32>
      %add3A_332 = arith.addf %scan3A_263, %mul3A_331 : vector<16xf32>
      %get3A_333 = arith.constant 1 : i32
      %get3A_334 = arith.index_cast %get3A_333 : i32 to index
      %get3A_335 = arith.index_cast %add3A_271 : i32 to index
      %get3A_336 = arith.constant 32 : index
      %get3A_337 = tpu.vector_load %arg8[%get3A_334, %get3A_335, %get3A_336] {strides = array<i32>} : memref<3x128x64xf32, #tpu.memory_space<vmem>>, vector<1x1x16xf32>,
      %get3A_338 = vector.shape_cast %get3A_337 : vector<1x1x16xf32> to vector<16xf32>
      %bitcast_convert_type3A_339 = tpu.bitcast %get3A_338 : vector<16xf32> -> vector<16xi32>
      %shift_left3A_340 = arith.constant 16 : i32
      %shift_left3A_341 = vector.broadcast %shift_left3A_340 : i32 to vector<16xi32>
      %shift_left3A_342 = arith.shli %bitcast_convert_type3A_339, %shift_left3A_341 : vector<16xi32>
      %bitcast_convert_type3A_343 = tpu.bitcast %shift_left3A_342 : vector<16xi32> -> vector<16xf32>
      %and3A_344 = arith.constant -65536 : i32
      %and3A_345 = vector.broadcast %and3A_344 : i32 to vector<16xi32>
      %and3A_346 = arith.andi %bitcast_convert_type3A_339, %and3A_345 : vector<16xi32>
      %bitcast_convert_type3A_347 = tpu.bitcast %and3A_346 : vector<16xi32> -> vector<16xf32>
      %get3A_348 = arith.constant 1 : i32
      %get3A_349 = arith.index_cast %get3A_348 : i32 to index
      %get3A_350 = arith.index_cast %add3A_271 : i32 to index
      %get3A_351 = arith.constant 64 : index
      %get3A_352 = tpu.vector_load %arg7[%get3A_349, %get3A_350, %get3A_351] {strides = array<i32>} : memref<3x128x128xf32, #tpu.memory_space<vmem>>, vector<1x1x16xf32>,
      %get3A_353 = vector.shape_cast %get3A_352 : vector<1x1x16xf32> to vector<16xf32>
      %get3A_354 = arith.constant 1 : i32
      %get3A_355 = arith.index_cast %get3A_354 : i32 to index
      %get3A_356 = arith.index_cast %add3A_271 : i32 to index
      %get3A_357 = arith.constant 80 : index
      %get3A_358 = tpu.vector_load %arg7[%get3A_355, %get3A_356, %get3A_357] {strides = array<i32>} : memref<3x128x128xf32, #tpu.memory_space<vmem>>, vector<1x1x16xf32>,
      %get3A_359 = vector.shape_cast %get3A_358 : vector<1x1x16xf32> to vector<16xf32>
      %sub3A_360 = arith.subf %get3A_353, %bitcast_convert_type3A_343 : vector<16xf32>
      %sub3A_361 = arith.subf %get3A_359, %bitcast_convert_type3A_347 : vector<16xf32>
      %mul3A_362 = arith.mulf %sub3A_360, %sub3A_360 : vector<16xf32>
      %add3A_363 = arith.addf %scan3A_264, %mul3A_362 : vector<16xf32>
      %mul3A_364 = arith.mulf %sub3A_361, %sub3A_361 : vector<16xf32>
      %add3A_365 = arith.addf %scan3A_265, %mul3A_364 : vector<16xf32>
      %get3A_366 = arith.constant 1 : i32
      %get3A_367 = arith.index_cast %get3A_366 : i32 to index
      %get3A_368 = arith.index_cast %add3A_271 : i32 to index
      %get3A_369 = arith.constant 48 : index
      %get3A_370 = tpu.vector_load %arg8[%get3A_367, %get3A_368, %get3A_369] {strides = array<i32>} : memref<3x128x64xf32, #tpu.memory_space<vmem>>, vector<1x1x16xf32>,
      %get3A_371 = vector.shape_cast %get3A_370 : vector<1x1x16xf32> to vector<16xf32>
      %bitcast_convert_type3A_372 = tpu.bitcast %get3A_371 : vector<16xf32> -> vector<16xi32>
      %shift_left3A_373 = arith.constant 16 : i32
      %shift_left3A_374 = vector.broadcast %shift_left3A_373 : i32 to vector<16xi32>
      %shift_left3A_375 = arith.shli %bitcast_convert_type3A_372, %shift_left3A_374 : vector<16xi32>
      %bitcast_convert_type3A_376 = tpu.bitcast %shift_left3A_375 : vector<16xi32> -> vector<16xf32>
      %and3A_377 = arith.constant -65536 : i32
      %and3A_378 = vector.broadcast %and3A_377 : i32 to vector<16xi32>
      %and3A_379 = arith.andi %bitcast_convert_type3A_372, %and3A_378 : vector<16xi32>
      %bitcast_convert_type3A_380 = tpu.bitcast %and3A_379 : vector<16xi32> -> vector<16xf32>
      %get3A_381 = arith.constant 1 : i32
      %get3A_382 = arith.index_cast %get3A_381 : i32 to index
      %get3A_383 = arith.index_cast %add3A_271 : i32 to index
      %get3A_384 = arith.constant 96 : index
      %get3A_385 = tpu.vector_load %arg7[%get3A_382, %get3A_383, %get3A_384] {strides = array<i32>} : memref<3x128x128xf32, #tpu.memory_space<vmem>>, vector<1x1x16xf32>,
      %get3A_386 = vector.shape_cast %get3A_385 : vector<1x1x16xf32> to vector<16xf32>
      %get3A_387 = arith.constant 1 : i32
      %get3A_388 = arith.index_cast %get3A_387 : i32 to index
      %get3A_389 = arith.index_cast %add3A_271 : i32 to index
      %get3A_390 = arith.constant 112 : index
      %get3A_391 = tpu.vector_load %arg7[%get3A_388, %get3A_389, %get3A_390] {strides = array<i32>} : memref<3x128x128xf32, #tpu.memory_space<vmem>>, vector<1x1x16xf32>,
      %get3A_392 = vector.shape_cast %get3A_391 : vector<1x1x16xf32> to vector<16xf32>
      %sub3A_393 = arith.subf %get3A_386, %bitcast_convert_type3A_376 : vector<16xf32>
      %sub3A_394 = arith.subf %get3A_392, %bitcast_convert_type3A_380 : vector<16xf32>
      %mul3A_395 = arith.mulf %sub3A_393, %sub3A_393 : vector<16xf32>
      %add3A_396 = arith.addf %scan3A_266, %mul3A_395 : vector<16xf32>
      %mul3A_397 = arith.mulf %sub3A_394, %sub3A_394 : vector<16xf32>
      %add3A_398 = arith.addf %scan3A_267, %mul3A_397 : vector<16xf32>
      %mul3A_399 = arith.constant 2 : i32
      %mul3A_400 = arith.muli %scan3A_259, %mul3A_399 : i32
      %add3A_401 = arith.constant 1 : i32
      %add3A_402 = arith.addi %mul3A_400, %add3A_401 : i32
      %get3A_403 = arith.constant 1 : i32
      %get3A_404 = arith.index_cast %get3A_403 : i32 to index
      %get3A_405 = arith.index_cast %add3A_402 : i32 to index
      %get3A_406 = arith.constant 0 : index
      %get3A_407 = tpu.vector_load %arg8[%get3A_404, %get3A_405, %get3A_406] {strides = array<i32>} : memref<3x128x64xf32, #tpu.memory_space<vmem>>, vector<1x1x16xf32>,
      %get3A_408 = vector.shape_cast %get3A_407 : vector<1x1x16xf32> to vector<16xf32>
      %bitcast_convert_type3A_409 = tpu.bitcast %get3A_408 : vector<16xf32> -> vector<16xi32>
      %shift_left3A_410 = arith.constant 16 : i32
      %shift_left3A_411 = vector.broadcast %shift_left3A_410 : i32 to vector<16xi32>
      %shift_left3A_412 = arith.shli %bitcast_convert_type3A_409, %shift_left3A_411 : vector<16xi32>
      %bitcast_convert_type3A_413 = tpu.bitcast %shift_left3A_412 : vector<16xi32> -> vector<16xf32>
      %and3A_414 = arith.constant -65536 : i32
      %and3A_415 = vector.broadcast %and3A_414 : i32 to vector<16xi32>
      %and3A_416 = arith.andi %bitcast_convert_type3A_409, %and3A_415 : vector<16xi32>
      %bitcast_convert_type3A_417 = tpu.bitcast %and3A_416 : vector<16xi32> -> vector<16xf32>
      %get3A_418 = arith.constant 1 : i32
      %get3A_419 = arith.index_cast %get3A_418 : i32 to index
      %get3A_420 = arith.index_cast %add3A_402 : i32 to index
      %get3A_421 = arith.constant 0 : index
      %get3A_422 = tpu.vector_load %arg7[%get3A_419, %get3A_420, %get3A_421] {strides = array<i32>} : memref<3x128x128xf32, #tpu.memory_space<vmem>>, vector<1x1x16xf32>,
      %get3A_423 = vector.shape_cast %get3A_422 : vector<1x1x16xf32> to vector<16xf32>
      %get3A_424 = arith.constant 1 : i32
      %get3A_425 = arith.index_cast %get3A_424 : i32 to index
      %get3A_426 = arith.index_cast %add3A_402 : i32 to index
      %get3A_427 = arith.constant 16 : index
      %get3A_428 = tpu.vector_load %arg7[%get3A_425, %get3A_426, %get3A_427] {strides = array<i32>} : memref<3x128x128xf32, #tpu.memory_space<vmem>>, vector<1x1x16xf32>,
      %get3A_429 = vector.shape_cast %get3A_428 : vector<1x1x16xf32> to vector<16xf32>
      %sub3A_430 = arith.subf %get3A_423, %bitcast_convert_type3A_413 : vector<16xf32>
      %sub3A_431 = arith.subf %get3A_429, %bitcast_convert_type3A_417 : vector<16xf32>
      %mul3A_432 = arith.mulf %sub3A_430, %sub3A_430 : vector<16xf32>
      %add3A_433 = arith.addf %add3A_297, %mul3A_432 : vector<16xf32>
      %mul3A_434 = arith.mulf %sub3A_431, %sub3A_431 : vector<16xf32>
      %add3A_435 = arith.addf %add3A_299, %mul3A_434 : vector<16xf32>
      %get3A_436 = arith.constant 1 : i32
      %get3A_437 = arith.index_cast %get3A_436 : i32 to index
      %get3A_438 = arith.index_cast %add3A_402 : i32 to index
      %get3A_439 = arith.constant 16 : index
      %get3A_440 = tpu.vector_load %arg8[%get3A_437, %get3A_438, %get3A_439] {strides = array<i32>} : memref<3x128x64xf32, #tpu.memory_space<vmem>>, vector<1x1x16xf32>,
      %get3A_441 = vector.shape_cast %get3A_440 : vector<1x1x16xf32> to vector<16xf32>
      %bitcast_convert_type3A_442 = tpu.bitcast %get3A_441 : vector<16xf32> -> vector<16xi32>
      %shift_left3A_443 = arith.constant 16 : i32
      %shift_left3A_444 = vector.broadcast %shift_left3A_443 : i32 to vector<16xi32>
      %shift_left3A_445 = arith.shli %bitcast_convert_type3A_442, %shift_left3A_444 : vector<16xi32>
      %bitcast_convert_type3A_446 = tpu.bitcast %shift_left3A_445 : vector<16xi32> -> vector<16xf32>
      %and3A_447 = arith.constant -65536 : i32
      %and3A_448 = vector.broadcast %and3A_447 : i32 to vector<16xi32>
      %and3A_449 = arith.andi %bitcast_convert_type3A_442, %and3A_448 : vector<16xi32>
      %bitcast_convert_type3A_450 = tpu.bitcast %and3A_449 : vector<16xi32> -> vector<16xf32>
      %get3A_451 = arith.constant 1 : i32
      %get3A_452 = arith.index_cast %get3A_451 : i32 to index
      %get3A_453 = arith.index_cast %add3A_402 : i32 to index
      %get3A_454 = arith.constant 32 : index
      %get3A_455 = tpu.vector_load %arg7[%get3A_452, %get3A_453, %get3A_454] {strides = array<i32>} : memref<3x128x128xf32, #tpu.memory_space<vmem>>, vector<1x1x16xf32>,
      %get3A_456 = vector.shape_cast %get3A_455 : vector<1x1x16xf32> to vector<16xf32>
      %get3A_457 = arith.constant 1 : i32
      %get3A_458 = arith.index_cast %get3A_457 : i32 to index
      %get3A_459 = arith.index_cast %add3A_402 : i32 to index
      %get3A_460 = arith.constant 48 : index
      %get3A_461 = tpu.vector_load %arg7[%get3A_458, %get3A_459, %get3A_460] {strides = array<i32>} : memref<3x128x128xf32, #tpu.memory_space<vmem>>, vector<1x1x16xf32>,
      %get3A_462 = vector.shape_cast %get3A_461 : vector<1x1x16xf32> to vector<16xf32>
      %sub3A_463 = arith.subf %get3A_456, %bitcast_convert_type3A_446 : vector<16xf32>
      %sub3A_464 = arith.subf %get3A_462, %bitcast_convert_type3A_450 : vector<16xf32>
      %mul3A_465 = arith.mulf %sub3A_463, %sub3A_463 : vector<16xf32>
      %add3A_466 = arith.addf %add3A_330, %mul3A_465 : vector<16xf32>
      %mul3A_467 = arith.mulf %sub3A_464, %sub3A_464 : vector<16xf32>
      %add3A_468 = arith.addf %add3A_332, %mul3A_467 : vector<16xf32>
      %get3A_469 = arith.constant 1 : i32
      %get3A_470 = arith.index_cast %get3A_469 : i32 to index
      %get3A_471 = arith.index_cast %add3A_402 : i32 to index
      %get3A_472 = arith.constant 32 : index
      %get3A_473 = tpu.vector_load %arg8[%get3A_470, %get3A_471, %get3A_472] {strides = array<i32>} : memref<3x128x64xf32, #tpu.memory_space<vmem>>, vector<1x1x16xf32>,
      %get3A_474 = vector.shape_cast %get3A_473 : vector<1x1x16xf32> to vector<16xf32>
      %bitcast_convert_type3A_475 = tpu.bitcast %get3A_474 : vector<16xf32> -> vector<16xi32>
      %shift_left3A_476 = arith.constant 16 : i32
      %shift_left3A_477 = vector.broadcast %shift_left3A_476 : i32 to vector<16xi32>
      %shift_left3A_478 = arith.shli %bitcast_convert_type3A_475, %shift_left3A_477 : vector<16xi32>
      %bitcast_convert_type3A_479 = tpu.bitcast %shift_left3A_478 : vector<16xi32> -> vector<16xf32>
      %and3A_480 = arith.constant -65536 : i32
      %and3A_481 = vector.broadcast %and3A_480 : i32 to vector<16xi32>
      %and3A_482 = arith.andi %bitcast_convert_type3A_475, %and3A_481 : vector<16xi32>
      %bitcast_convert_type3A_483 = tpu.bitcast %and3A_482 : vector<16xi32> -> vector<16xf32>
      %get3A_484 = arith.constant 1 : i32
      %get3A_485 = arith.index_cast %get3A_484 : i32 to index
      %get3A_486 = arith.index_cast %add3A_402 : i32 to index
      %get3A_487 = arith.constant 64 : index
      %get3A_488 = tpu.vector_load %arg7[%get3A_485, %get3A_486, %get3A_487] {strides = array<i32>} : memref<3x128x128xf32, #tpu.memory_space<vmem>>, vector<1x1x16xf32>,
      %get3A_489 = vector.shape_cast %get3A_488 : vector<1x1x16xf32> to vector<16xf32>
      %get3A_490 = arith.constant 1 : i32
      %get3A_491 = arith.index_cast %get3A_490 : i32 to index
      %get3A_492 = arith.index_cast %add3A_402 : i32 to index
      %get3A_493 = arith.constant 80 : index
      %get3A_494 = tpu.vector_load %arg7[%get3A_491, %get3A_492, %get3A_493] {strides = array<i32>} : memref<3x128x128xf32, #tpu.memory_space<vmem>>, vector<1x1x16xf32>,
      %get3A_495 = vector.shape_cast %get3A_494 : vector<1x1x16xf32> to vector<16xf32>
      %sub3A_496 = arith.subf %get3A_489, %bitcast_convert_type3A_479 : vector<16xf32>
      %sub3A_497 = arith.subf %get3A_495, %bitcast_convert_type3A_483 : vector<16xf32>
      %mul3A_498 = arith.mulf %sub3A_496, %sub3A_496 : vector<16xf32>
      %add3A_499 = arith.addf %add3A_363, %mul3A_498 : vector<16xf32>
      %mul3A_500 = arith.mulf %sub3A_497, %sub3A_497 : vector<16xf32>
      %add3A_501 = arith.addf %add3A_365, %mul3A_500 : vector<16xf32>
      %get3A_502 = arith.constant 1 : i32
      %get3A_503 = arith.index_cast %get3A_502 : i32 to index
      %get3A_504 = arith.index_cast %add3A_402 : i32 to index
      %get3A_505 = arith.constant 48 : index
      %get3A_506 = tpu.vector_load %arg8[%get3A_503, %get3A_504, %get3A_505] {strides = array<i32>} : memref<3x128x64xf32, #tpu.memory_space<vmem>>, vector<1x1x16xf32>,
      %get3A_507 = vector.shape_cast %get3A_506 : vector<1x1x16xf32> to vector<16xf32>
      %bitcast_convert_type3A_508 = tpu.bitcast %get3A_507 : vector<16xf32> -> vector<16xi32>
      %shift_left3A_509 = arith.constant 16 : i32
      %shift_left3A_510 = vector.broadcast %shift_left3A_509 : i32 to vector<16xi32>
      %shift_left3A_511 = arith.shli %bitcast_convert_type3A_508, %shift_left3A_510 : vector<16xi32>
      %bitcast_convert_type3A_512 = tpu.bitcast %shift_left3A_511 : vector<16xi32> -> vector<16xf32>
      %and3A_513 = arith.constant -65536 : i32
      %and3A_514 = vector.broadcast %and3A_513 : i32 to vector<16xi32>
      %and3A_515 = arith.andi %bitcast_convert_type3A_508, %and3A_514 : vector<16xi32>
      %bitcast_convert_type3A_516 = tpu.bitcast %and3A_515 : vector<16xi32> -> vector<16xf32>
      %get3A_517 = arith.constant 1 : i32
      %get3A_518 = arith.index_cast %get3A_517 : i32 to index
      %get3A_519 = arith.index_cast %add3A_402 : i32 to index
      %get3A_520 = arith.constant 96 : index
      %get3A_521 = tpu.vector_load %arg7[%get3A_518, %get3A_519, %get3A_520] {strides = array<i32>} : memref<3x128x128xf32, #tpu.memory_space<vmem>>, vector<1x1x16xf32>,
      %get3A_522 = vector.shape_cast %get3A_521 : vector<1x1x16xf32> to vector<16xf32>
      %get3A_523 = arith.constant 1 : i32
      %get3A_524 = arith.index_cast %get3A_523 : i32 to index
      %get3A_525 = arith.index_cast %add3A_402 : i32 to index
      %get3A_526 = arith.constant 112 : index
      %get3A_527 = tpu.vector_load %arg7[%get3A_524, %get3A_525, %get3A_526] {strides = array<i32>} : memref<3x128x128xf32, #tpu.memory_space<vmem>>, vector<1x1x16xf32>,
      %get3A_528 = vector.shape_cast %get3A_527 : vector<1x1x16xf32> to vector<16xf32>
      %sub3A_529 = arith.subf %get3A_522, %bitcast_convert_type3A_512 : vector<16xf32>
      %sub3A_530 = arith.subf %get3A_528, %bitcast_convert_type3A_516 : vector<16xf32>
      %mul3A_531 = arith.mulf %sub3A_529, %sub3A_529 : vector<16xf32>
      %add3A_532 = arith.addf %add3A_396, %mul3A_531 : vector<16xf32>
      %mul3A_533 = arith.mulf %sub3A_530, %sub3A_530 : vector<16xf32>
      %add3A_534 = arith.addf %add3A_398, %mul3A_533 : vector<16xf32>
      scf.yield %add3A_433, %add3A_435, %add3A_466, %add3A_468, %add3A_499, %add3A_501, %add3A_532, %add3A_534 : vector<16xf32>, vector<16xf32>, vector<16xf32>, vector<16xf32>, vector<16xf32>, vector<16xf32>, vector<16xf32>, vector<16xf32>
    }
    %scan3A_186 = arith.constant 64 : i32
    %dma_wait3A_187 = arith.constant 2 : i32
    %dma_wait3A_188 = arith.constant 0 : i32
    %dma_wait3A_189 = arith.constant 0 : i32
    %dma_wait3A_190 = tpu.memref_slice %arg7[%dma_wait3A_187, %dma_wait3A_188, %dma_wait3A_189] : memref<3x128x128xf32, #tpu.memory_space<vmem>> -> memref<1x128x128xf32, #tpu.memory_space<vmem>>
    %dma_wait3A_191 = tpu.memref_squeeze %dma_wait3A_190 : memref<1x128x128xf32, #tpu.memory_space<vmem>> -> memref<128x128xf32, #tpu.memory_space<vmem>>
    %dma_wait3A_192 = arith.constant 0 : i32
    %dma_wait3A_193 = tpu.memref_slice %arg2[%add3A_59, %dma_wait3A_192] : memref<16384x128xf32, #tpu.memory_space<hbm>> -> memref<128x128xf32, #tpu.memory_space<hbm>>
    %dma_wait3A_194 = arith.constant 0 : i32
    %dma_wait3A_195 = arith.constant 0 : i32
    %dma_wait3A_196 = tpu.memref_slice %arg7[%dma_wait3A_187, %dma_wait3A_194, %dma_wait3A_195] : memref<3x128x128xf32, #tpu.memory_space<vmem>> -> memref<1x128x128xf32, #tpu.memory_space<vmem>>
    %dma_wait3A_197 = tpu.memref_squeeze %dma_wait3A_196 : memref<1x128x128xf32, #tpu.memory_space<vmem>> -> memref<128x128xf32, #tpu.memory_space<vmem>>
    %dma_wait3A_198 = arith.constant 0 : i32
    %dma_wait3A_199 = tpu.memref_slice %arg2[%add3A_59, %dma_wait3A_198] : memref<16384x128xf32, #tpu.memory_space<hbm>> -> memref<128x128xf32, #tpu.memory_space<hbm>>
    tpu.wait_dma2 semaphore(%arg12 : memref<!tpu.dma_semaphore, #tpu.memory_space<semaphore_mem>>) src(%dma_wait3A_199 : memref<128x128xf32, #tpu.memory_space<hbm>>) dst(%dma_wait3A_197 : memref<128x128xf32, #tpu.memory_space<vmem>>)
    %dma_wait3A_200 = arith.constant 2 : i32
    %dma_wait3A_201 = arith.constant 2 : i32
    %dma_wait3A_202 = arith.constant 0 : i32
    %dma_wait3A_203 = arith.constant 0 : i32
    %dma_wait3A_204 = tpu.memref_slice %arg8[%dma_wait3A_201, %dma_wait3A_202, %dma_wait3A_203] : memref<3x128x64xf32, #tpu.memory_space<vmem>> -> memref<1x128x64xf32, #tpu.memory_space<vmem>>
    %dma_wait3A_205 = tpu.memref_squeeze %dma_wait3A_204 : memref<1x128x64xf32, #tpu.memory_space<vmem>> -> memref<128x64xf32, #tpu.memory_space<vmem>>
    %dma_wait3A_206 = arith.constant 0 : i32
    %dma_wait3A_207 = tpu.memref_slice %arg6[%dma_wait3A_200, %dma_wait3A_206] : memref<4x128xi32, #tpu.memory_space<vmem>> -> memref<1x128xi32, #tpu.memory_space<vmem>>
    %dma_wait3A_208 = tpu.memref_squeeze %dma_wait3A_207 : memref<1x128xi32, #tpu.memory_space<vmem>> -> memref<128xi32, #tpu.memory_space<vmem>>
    %dma_wait3A_209 = arith.constant 0 : i32
    %dma_wait3A_210 = arith.constant 0 : i32
    %dma_wait3A_211 = tpu.memref_slice %arg4[%dma_wait3A_209, %dma_wait3A_210] : memref<1000x64xf32, #tpu.memory_space<hbm>> -> memref<1000x64xf32, #tpu.memory_space<hbm>>
    tpu.wait_indirect_dma semaphore(%arg15 : memref<!tpu.dma_semaphore, #tpu.memory_space<semaphore_mem>>) src(%dma_wait3A_211 : memref<1000x64xf32, #tpu.memory_space<hbm>>) dst(%dma_wait3A_205 : memref<128x64xf32, #tpu.memory_space<vmem>>)
    %scan3A_212 = arith.constant 0 : i32
    %scan3A_213 = arith.constant 64 : i32
    %scan3A_214 = arith.addi %scan3A_212, %scan3A_213 : i32
    %scan3A_215 = arith.constant 1 : i32
    %scan3A_216:8 = scf.for %scan3A_259 = %scan3A_212 to %scan3A_214 step %scan3A_215 iter_args(%scan3A_260 = %scan3A_185#0, %scan3A_261 = %scan3A_185#1, %scan3A_262 = %scan3A_185#2, %scan3A_263 = %scan3A_185#3, %scan3A_264 = %scan3A_185#4, %scan3A_265 = %scan3A_185#5, %scan3A_266 = %scan3A_185#6, %scan3A_267 = %scan3A_185#7) -> (vector<16xf32>, vector<16xf32>, vector<16xf32>, vector<16xf32>, vector<16xf32>, vector<16xf32>, vector<16xf32>, vector<16xf32>)  : i32 {
      %mul3A_268 = arith.constant 2 : i32
      %mul3A_269 = arith.muli %scan3A_259, %mul3A_268 : i32
      %add3A_270 = arith.constant 0 : i32
      %add3A_271 = arith.addi %mul3A_269, %add3A_270 : i32
      %get3A = arith.constant 2 : i32
      %get3A_272 = arith.index_cast %get3A : i32 to index
      %get3A_273 = arith.index_cast %add3A_271 : i32 to index
      %get3A_274 = arith.constant 0 : index
      %get3A_275 = tpu.vector_load %arg8[%get3A_272, %get3A_273, %get3A_274] {strides = array<i32>} : memref<3x128x64xf32, #tpu.memory_space<vmem>>, vector<1x1x16xf32>,
      %get3A_276 = vector.shape_cast %get3A_275 : vector<1x1x16xf32> to vector<16xf32>
      %bitcast_convert_type3A = tpu.bitcast %get3A_276 : vector<16xf32> -> vector<16xi32>
      %shift_left3A = arith.constant 16 : i32
      %shift_left3A_277 = vector.broadcast %shift_left3A : i32 to vector<16xi32>
      %shift_left3A_278 = arith.shli %bitcast_convert_type3A, %shift_left3A_277 : vector<16xi32>
      %bitcast_convert_type3A_279 = tpu.bitcast %shift_left3A_278 : vector<16xi32> -> vector<16xf32>
      %and3A = arith.constant -65536 : i32
      %and3A_280 = vector.broadcast %and3A : i32 to vector<16xi32>
      %and3A_281 = arith.andi %bitcast_convert_type3A, %and3A_280 : vector<16xi32>
      %bitcast_convert_type3A_282 = tpu.bitcast %and3A_281 : vector<16xi32> -> vector<16xf32>
      %get3A_283 = arith.constant 2 : i32
      %get3A_284 = arith.index_cast %get3A_283 : i32 to index
      %get3A_285 = arith.index_cast %add3A_271 : i32 to index
      %get3A_286 = arith.constant 0 : index
      %get3A_287 = tpu.vector_load %arg7[%get3A_284, %get3A_285, %get3A_286] {strides = array<i32>} : memref<3x128x128xf32, #tpu.memory_space<vmem>>, vector<1x1x16xf32>,
      %get3A_288 = vector.shape_cast %get3A_287 : vector<1x1x16xf32> to vector<16xf32>
      %get3A_289 = arith.constant 2 : i32
      %get3A_290 = arith.index_cast %get3A_289 : i32 to index
      %get3A_291 = arith.index_cast %add3A_271 : i32 to index
      %get3A_292 = arith.constant 16 : index
      %get3A_293 = tpu.vector_load %arg7[%get3A_290, %get3A_291, %get3A_292] {strides = array<i32>} : memref<3x128x128xf32, #tpu.memory_space<vmem>>, vector<1x1x16xf32>,
      %get3A_294 = vector.shape_cast %get3A_293 : vector<1x1x16xf32> to vector<16xf32>
      %sub3A = arith.subf %get3A_288, %bitcast_convert_type3A_279 : vector<16xf32>
      %sub3A_295 = arith.subf %get3A_294, %bitcast_convert_type3A_282 : vector<16xf32>
      %mul3A_296 = arith.mulf %sub3A, %sub3A : vector<16xf32>
      %add3A_297 = arith.addf %scan3A_260, %mul3A_296 : vector<16xf32>
      %mul3A_298 = arith.mulf %sub3A_295, %sub3A_295 : vector<16xf32>
      %add3A_299 = arith.addf %scan3A_261, %mul3A_298 : vector<16xf32>
      %get3A_300 = arith.constant 2 : i32
      %get3A_301 = arith.index_cast %get3A_300 : i32 to index
      %get3A_302 = arith.index_cast %add3A_271 : i32 to index
      %get3A_303 = arith.constant 16 : index
      %get3A_304 = tpu.vector_load %arg8[%get3A_301, %get3A_302, %get3A_303] {strides = array<i32>} : memref<3x128x64xf32, #tpu.memory_space<vmem>>, vector<1x1x16xf32>,
      %get3A_305 = vector.shape_cast %get3A_304 : vector<1x1x16xf32> to vector<16xf32>
      %bitcast_convert_type3A_306 = tpu.bitcast %get3A_305 : vector<16xf32> -> vector<16xi32>
      %shift_left3A_307 = arith.constant 16 : i32
      %shift_left3A_308 = vector.broadcast %shift_left3A_307 : i32 to vector<16xi32>
      %shift_left3A_309 = arith.shli %bitcast_convert_type3A_306, %shift_left3A_308 : vector<16xi32>
      %bitcast_convert_type3A_310 = tpu.bitcast %shift_left3A_309 : vector<16xi32> -> vector<16xf32>
      %and3A_311 = arith.constant -65536 : i32
      %and3A_312 = vector.broadcast %and3A_311 : i32 to vector<16xi32>
      %and3A_313 = arith.andi %bitcast_convert_type3A_306, %and3A_312 : vector<16xi32>
      %bitcast_convert_type3A_314 = tpu.bitcast %and3A_313 : vector<16xi32> -> vector<16xf32>
      %get3A_315 = arith.constant 2 : i32
      %get3A_316 = arith.index_cast %get3A_315 : i32 to index
      %get3A_317 = arith.index_cast %add3A_271 : i32 to index
      %get3A_318 = arith.constant 32 : index
      %get3A_319 = tpu.vector_load %arg7[%get3A_316, %get3A_317, %get3A_318] {strides = array<i32>} : memref<3x128x128xf32, #tpu.memory_space<vmem>>, vector<1x1x16xf32>,
      %get3A_320 = vector.shape_cast %get3A_319 : vector<1x1x16xf32> to vector<16xf32>
      %get3A_321 = arith.constant 2 : i32
      %get3A_322 = arith.index_cast %get3A_321 : i32 to index
      %get3A_323 = arith.index_cast %add3A_271 : i32 to index
      %get3A_324 = arith.constant 48 : index
      %get3A_325 = tpu.vector_load %arg7[%get3A_322, %get3A_323, %get3A_324] {strides = array<i32>} : memref<3x128x128xf32, #tpu.memory_space<vmem>>, vector<1x1x16xf32>,
      %get3A_326 = vector.shape_cast %get3A_325 : vector<1x1x16xf32> to vector<16xf32>
      %sub3A_327 = arith.subf %get3A_320, %bitcast_convert_type3A_310 : vector<16xf32>
      %sub3A_328 = arith.subf %get3A_326, %bitcast_convert_type3A_314 : vector<16xf32>
      %mul3A_329 = arith.mulf %sub3A_327, %sub3A_327 : vector<16xf32>
      %add3A_330 = arith.addf %scan3A_262, %mul3A_329 : vector<16xf32>
      %mul3A_331 = arith.mulf %sub3A_328, %sub3A_328 : vector<16xf32>
      %add3A_332 = arith.addf %scan3A_263, %mul3A_331 : vector<16xf32>
      %get3A_333 = arith.constant 2 : i32
      %get3A_334 = arith.index_cast %get3A_333 : i32 to index
      %get3A_335 = arith.index_cast %add3A_271 : i32 to index
      %get3A_336 = arith.constant 32 : index
      %get3A_337 = tpu.vector_load %arg8[%get3A_334, %get3A_335, %get3A_336] {strides = array<i32>} : memref<3x128x64xf32, #tpu.memory_space<vmem>>, vector<1x1x16xf32>,
      %get3A_338 = vector.shape_cast %get3A_337 : vector<1x1x16xf32> to vector<16xf32>
      %bitcast_convert_type3A_339 = tpu.bitcast %get3A_338 : vector<16xf32> -> vector<16xi32>
      %shift_left3A_340 = arith.constant 16 : i32
      %shift_left3A_341 = vector.broadcast %shift_left3A_340 : i32 to vector<16xi32>
      %shift_left3A_342 = arith.shli %bitcast_convert_type3A_339, %shift_left3A_341 : vector<16xi32>
      %bitcast_convert_type3A_343 = tpu.bitcast %shift_left3A_342 : vector<16xi32> -> vector<16xf32>
      %and3A_344 = arith.constant -65536 : i32
      %and3A_345 = vector.broadcast %and3A_344 : i32 to vector<16xi32>
      %and3A_346 = arith.andi %bitcast_convert_type3A_339, %and3A_345 : vector<16xi32>
      %bitcast_convert_type3A_347 = tpu.bitcast %and3A_346 : vector<16xi32> -> vector<16xf32>
      %get3A_348 = arith.constant 2 : i32
      %get3A_349 = arith.index_cast %get3A_348 : i32 to index
      %get3A_350 = arith.index_cast %add3A_271 : i32 to index
      %get3A_351 = arith.constant 64 : index
      %get3A_352 = tpu.vector_load %arg7[%get3A_349, %get3A_350, %get3A_351] {strides = array<i32>} : memref<3x128x128xf32, #tpu.memory_space<vmem>>, vector<1x1x16xf32>,
      %get3A_353 = vector.shape_cast %get3A_352 : vector<1x1x16xf32> to vector<16xf32>
      %get3A_354 = arith.constant 2 : i32
      %get3A_355 = arith.index_cast %get3A_354 : i32 to index
      %get3A_356 = arith.index_cast %add3A_271 : i32 to index
      %get3A_357 = arith.constant 80 : index
      %get3A_358 = tpu.vector_load %arg7[%get3A_355, %get3A_356, %get3A_357] {strides = array<i32>} : memref<3x128x128xf32, #tpu.memory_space<vmem>>, vector<1x1x16xf32>,
      %get3A_359 = vector.shape_cast %get3A_358 : vector<1x1x16xf32> to vector<16xf32>
      %sub3A_360 = arith.subf %get3A_353, %bitcast_convert_type3A_343 : vector<16xf32>
      %sub3A_361 = arith.subf %get3A_359, %bitcast_convert_type3A_347 : vector<16xf32>
      %mul3A_362 = arith.mulf %sub3A_360, %sub3A_360 : vector<16xf32>
      %add3A_363 = arith.addf %scan3A_264, %mul3A_362 : vector<16xf32>
      %mul3A_364 = arith.mulf %sub3A_361, %sub3A_361 : vector<16xf32>
      %add3A_365 = arith.addf %scan3A_265, %mul3A_364 : vector<16xf32>
      %get3A_366 = arith.constant 2 : i32
      %get3A_367 = arith.index_cast %get3A_366 : i32 to index
      %get3A_368 = arith.index_cast %add3A_271 : i32 to index
      %get3A_369 = arith.constant 48 : index
      %get3A_370 = tpu.vector_load %arg8[%get3A_367, %get3A_368, %get3A_369] {strides = array<i32>} : memref<3x128x64xf32, #tpu.memory_space<vmem>>, vector<1x1x16xf32>,
      %get3A_371 = vector.shape_cast %get3A_370 : vector<1x1x16xf32> to vector<16xf32>
      %bitcast_convert_type3A_372 = tpu.bitcast %get3A_371 : vector<16xf32> -> vector<16xi32>
      %shift_left3A_373 = arith.constant 16 : i32
      %shift_left3A_374 = vector.broadcast %shift_left3A_373 : i32 to vector<16xi32>
      %shift_left3A_375 = arith.shli %bitcast_convert_type3A_372, %shift_left3A_374 : vector<16xi32>
      %bitcast_convert_type3A_376 = tpu.bitcast %shift_left3A_375 : vector<16xi32> -> vector<16xf32>
      %and3A_377 = arith.constant -65536 : i32
      %and3A_378 = vector.broadcast %and3A_377 : i32 to vector<16xi32>
      %and3A_379 = arith.andi %bitcast_convert_type3A_372, %and3A_378 : vector<16xi32>
      %bitcast_convert_type3A_380 = tpu.bitcast %and3A_379 : vector<16xi32> -> vector<16xf32>
      %get3A_381 = arith.constant 2 : i32
      %get3A_382 = arith.index_cast %get3A_381 : i32 to index
      %get3A_383 = arith.index_cast %add3A_271 : i32 to index
      %get3A_384 = arith.constant 96 : index
      %get3A_385 = tpu.vector_load %arg7[%get3A_382, %get3A_383, %get3A_384] {strides = array<i32>} : memref<3x128x128xf32, #tpu.memory_space<vmem>>, vector<1x1x16xf32>,
      %get3A_386 = vector.shape_cast %get3A_385 : vector<1x1x16xf32> to vector<16xf32>
      %get3A_387 = arith.constant 2 : i32
      %get3A_388 = arith.index_cast %get3A_387 : i32 to index
      %get3A_389 = arith.index_cast %add3A_271 : i32 to index
      %get3A_390 = arith.constant 112 : index
      %get3A_391 = tpu.vector_load %arg7[%get3A_388, %get3A_389, %get3A_390] {strides = array<i32>} : memref<3x128x128xf32, #tpu.memory_space<vmem>>, vector<1x1x16xf32>,
      %get3A_392 = vector.shape_cast %get3A_391 : vector<1x1x16xf32> to vector<16xf32>
      %sub3A_393 = arith.subf %get3A_386, %bitcast_convert_type3A_376 : vector<16xf32>
      %sub3A_394 = arith.subf %get3A_392, %bitcast_convert_type3A_380 : vector<16xf32>
      %mul3A_395 = arith.mulf %sub3A_393, %sub3A_393 : vector<16xf32>
      %add3A_396 = arith.addf %scan3A_266, %mul3A_395 : vector<16xf32>
      %mul3A_397 = arith.mulf %sub3A_394, %sub3A_394 : vector<16xf32>
      %add3A_398 = arith.addf %scan3A_267, %mul3A_397 : vector<16xf32>
      %mul3A_399 = arith.constant 2 : i32
      %mul3A_400 = arith.muli %scan3A_259, %mul3A_399 : i32
      %add3A_401 = arith.constant 1 : i32
      %add3A_402 = arith.addi %mul3A_400, %add3A_401 : i32
      %get3A_403 = arith.constant 2 : i32
      %get3A_404 = arith.index_cast %get3A_403 : i32 to index
      %get3A_405 = arith.index_cast %add3A_402 : i32 to index
      %get3A_406 = arith.constant 0 : index
      %get3A_407 = tpu.vector_load %arg8[%get3A_404, %get3A_405, %get3A_406] {strides = array<i32>} : memref<3x128x64xf32, #tpu.memory_space<vmem>>, vector<1x1x16xf32>,
      %get3A_408 = vector.shape_cast %get3A_407 : vector<1x1x16xf32> to vector<16xf32>
      %bitcast_convert_type3A_409 = tpu.bitcast %get3A_408 : vector<16xf32> -> vector<16xi32>
      %shift_left3A_410 = arith.constant 16 : i32
      %shift_left3A_411 = vector.broadcast %shift_left3A_410 : i32 to vector<16xi32>
      %shift_left3A_412 = arith.shli %bitcast_convert_type3A_409, %shift_left3A_411 : vector<16xi32>
      %bitcast_convert_type3A_413 = tpu.bitcast %shift_left3A_412 : vector<16xi32> -> vector<16xf32>
      %and3A_414 = arith.constant -65536 : i32
      %and3A_415 = vector.broadcast %and3A_414 : i32 to vector<16xi32>
      %and3A_416 = arith.andi %bitcast_convert_type3A_409, %and3A_415 : vector<16xi32>
      %bitcast_convert_type3A_417 = tpu.bitcast %and3A_416 : vector<16xi32> -> vector<16xf32>
      %get3A_418 = arith.constant 2 : i32
      %get3A_419 = arith.index_cast %get3A_418 : i32 to index
      %get3A_420 = arith.index_cast %add3A_402 : i32 to index
      %get3A_421 = arith.constant 0 : index
      %get3A_422 = tpu.vector_load %arg7[%get3A_419, %get3A_420, %get3A_421] {strides = array<i32>} : memref<3x128x128xf32, #tpu.memory_space<vmem>>, vector<1x1x16xf32>,
      %get3A_423 = vector.shape_cast %get3A_422 : vector<1x1x16xf32> to vector<16xf32>
      %get3A_424 = arith.constant 2 : i32
      %get3A_425 = arith.index_cast %get3A_424 : i32 to index
      %get3A_426 = arith.index_cast %add3A_402 : i32 to index
      %get3A_427 = arith.constant 16 : index
      %get3A_428 = tpu.vector_load %arg7[%get3A_425, %get3A_426, %get3A_427] {strides = array<i32>} : memref<3x128x128xf32, #tpu.memory_space<vmem>>, vector<1x1x16xf32>,
      %get3A_429 = vector.shape_cast %get3A_428 : vector<1x1x16xf32> to vector<16xf32>
      %sub3A_430 = arith.subf %get3A_423, %bitcast_convert_type3A_413 : vector<16xf32>
      %sub3A_431 = arith.subf %get3A_429, %bitcast_convert_type3A_417 : vector<16xf32>
      %mul3A_432 = arith.mulf %sub3A_430, %sub3A_430 : vector<16xf32>
      %add3A_433 = arith.addf %add3A_297, %mul3A_432 : vector<16xf32>
      %mul3A_434 = arith.mulf %sub3A_431, %sub3A_431 : vector<16xf32>
      %add3A_435 = arith.addf %add3A_299, %mul3A_434 : vector<16xf32>
      %get3A_436 = arith.constant 2 : i32
      %get3A_437 = arith.index_cast %get3A_436 : i32 to index
      %get3A_438 = arith.index_cast %add3A_402 : i32 to index
      %get3A_439 = arith.constant 16 : index
      %get3A_440 = tpu.vector_load %arg8[%get3A_437, %get3A_438, %get3A_439] {strides = array<i32>} : memref<3x128x64xf32, #tpu.memory_space<vmem>>, vector<1x1x16xf32>,
      %get3A_441 = vector.shape_cast %get3A_440 : vector<1x1x16xf32> to vector<16xf32>
      %bitcast_convert_type3A_442 = tpu.bitcast %get3A_441 : vector<16xf32> -> vector<16xi32>
      %shift_left3A_443 = arith.constant 16 : i32
      %shift_left3A_444 = vector.broadcast %shift_left3A_443 : i32 to vector<16xi32>
      %shift_left3A_445 = arith.shli %bitcast_convert_type3A_442, %shift_left3A_444 : vector<16xi32>
      %bitcast_convert_type3A_446 = tpu.bitcast %shift_left3A_445 : vector<16xi32> -> vector<16xf32>
      %and3A_447 = arith.constant -65536 : i32
      %and3A_448 = vector.broadcast %and3A_447 : i32 to vector<16xi32>
      %and3A_449 = arith.andi %bitcast_convert_type3A_442, %and3A_448 : vector<16xi32>
      %bitcast_convert_type3A_450 = tpu.bitcast %and3A_449 : vector<16xi32> -> vector<16xf32>
      %get3A_451 = arith.constant 2 : i32
      %get3A_452 = arith.index_cast %get3A_451 : i32 to index
      %get3A_453 = arith.index_cast %add3A_402 : i32 to index
      %get3A_454 = arith.constant 32 : index
      %get3A_455 = tpu.vector_load %arg7[%get3A_452, %get3A_453, %get3A_454] {strides = array<i32>} : memref<3x128x128xf32, #tpu.memory_space<vmem>>, vector<1x1x16xf32>,
      %get3A_456 = vector.shape_cast %get3A_455 : vector<1x1x16xf32> to vector<16xf32>
      %get3A_457 = arith.constant 2 : i32
      %get3A_458 = arith.index_cast %get3A_457 : i32 to index
      %get3A_459 = arith.index_cast %add3A_402 : i32 to index
      %get3A_460 = arith.constant 48 : index
      %get3A_461 = tpu.vector_load %arg7[%get3A_458, %get3A_459, %get3A_460] {strides = array<i32>} : memref<3x128x128xf32, #tpu.memory_space<vmem>>, vector<1x1x16xf32>,
      %get3A_462 = vector.shape_cast %get3A_461 : vector<1x1x16xf32> to vector<16xf32>
      %sub3A_463 = arith.subf %get3A_456, %bitcast_convert_type3A_446 : vector<16xf32>
      %sub3A_464 = arith.subf %get3A_462, %bitcast_convert_type3A_450 : vector<16xf32>
      %mul3A_465 = arith.mulf %sub3A_463, %sub3A_463 : vector<16xf32>
      %add3A_466 = arith.addf %add3A_330, %mul3A_465 : vector<16xf32>
      %mul3A_467 = arith.mulf %sub3A_464, %sub3A_464 : vector<16xf32>
      %add3A_468 = arith.addf %add3A_332, %mul3A_467 : vector<16xf32>
      %get3A_469 = arith.constant 2 : i32
      %get3A_470 = arith.index_cast %get3A_469 : i32 to index
      %get3A_471 = arith.index_cast %add3A_402 : i32 to index
      %get3A_472 = arith.constant 32 : index
      %get3A_473 = tpu.vector_load %arg8[%get3A_470, %get3A_471, %get3A_472] {strides = array<i32>} : memref<3x128x64xf32, #tpu.memory_space<vmem>>, vector<1x1x16xf32>,
      %get3A_474 = vector.shape_cast %get3A_473 : vector<1x1x16xf32> to vector<16xf32>
      %bitcast_convert_type3A_475 = tpu.bitcast %get3A_474 : vector<16xf32> -> vector<16xi32>
      %shift_left3A_476 = arith.constant 16 : i32
      %shift_left3A_477 = vector.broadcast %shift_left3A_476 : i32 to vector<16xi32>
      %shift_left3A_478 = arith.shli %bitcast_convert_type3A_475, %shift_left3A_477 : vector<16xi32>
      %bitcast_convert_type3A_479 = tpu.bitcast %shift_left3A_478 : vector<16xi32> -> vector<16xf32>
      %and3A_480 = arith.constant -65536 : i32
      %and3A_481 = vector.broadcast %and3A_480 : i32 to vector<16xi32>
      %and3A_482 = arith.andi %bitcast_convert_type3A_475, %and3A_481 : vector<16xi32>
      %bitcast_convert_type3A_483 = tpu.bitcast %and3A_482 : vector<16xi32> -> vector<16xf32>
      %get3A_484 = arith.constant 2 : i32
      %get3A_485 = arith.index_cast %get3A_484 : i32 to index
      %get3A_486 = arith.index_cast %add3A_402 : i32 to index
      %get3A_487 = arith.constant 64 : index
      %get3A_488 = tpu.vector_load %arg7[%get3A_485, %get3A_486, %get3A_487] {strides = array<i32>} : memref<3x128x128xf32, #tpu.memory_space<vmem>>, vector<1x1x16xf32>,
      %get3A_489 = vector.shape_cast %get3A_488 : vector<1x1x16xf32> to vector<16xf32>
      %get3A_490 = arith.constant 2 : i32
      %get3A_491 = arith.index_cast %get3A_490 : i32 to index
      %get3A_492 = arith.index_cast %add3A_402 : i32 to index
      %get3A_493 = arith.constant 80 : index
      %get3A_494 = tpu.vector_load %arg7[%get3A_491, %get3A_492, %get3A_493] {strides = array<i32>} : memref<3x128x128xf32, #tpu.memory_space<vmem>>, vector<1x1x16xf32>,
      %get3A_495 = vector.shape_cast %get3A_494 : vector<1x1x16xf32> to vector<16xf32>
      %sub3A_496 = arith.subf %get3A_489, %bitcast_convert_type3A_479 : vector<16xf32>
      %sub3A_497 = arith.subf %get3A_495, %bitcast_convert_type3A_483 : vector<16xf32>
      %mul3A_498 = arith.mulf %sub3A_496, %sub3A_496 : vector<16xf32>
      %add3A_499 = arith.addf %add3A_363, %mul3A_498 : vector<16xf32>
      %mul3A_500 = arith.mulf %sub3A_497, %sub3A_497 : vector<16xf32>
      %add3A_501 = arith.addf %add3A_365, %mul3A_500 : vector<16xf32>
      %get3A_502 = arith.constant 2 : i32
      %get3A_503 = arith.index_cast %get3A_502 : i32 to index
      %get3A_504 = arith.index_cast %add3A_402 : i32 to index
      %get3A_505 = arith.constant 48 : index
      %get3A_506 = tpu.vector_load %arg8[%get3A_503, %get3A_504, %get3A_505] {strides = array<i32>} : memref<3x128x64xf32, #tpu.memory_space<vmem>>, vector<1x1x16xf32>,
      %get3A_507 = vector.shape_cast %get3A_506 : vector<1x1x16xf32> to vector<16xf32>
      %bitcast_convert_type3A_508 = tpu.bitcast %get3A_507 : vector<16xf32> -> vector<16xi32>
      %shift_left3A_509 = arith.constant 16 : i32
      %shift_left3A_510 = vector.broadcast %shift_left3A_509 : i32 to vector<16xi32>
      %shift_left3A_511 = arith.shli %bitcast_convert_type3A_508, %shift_left3A_510 : vector<16xi32>
      %bitcast_convert_type3A_512 = tpu.bitcast %shift_left3A_511 : vector<16xi32> -> vector<16xf32>
      %and3A_513 = arith.constant -65536 : i32
      %and3A_514 = vector.broadcast %and3A_513 : i32 to vector<16xi32>
      %and3A_515 = arith.andi %bitcast_convert_type3A_508, %and3A_514 : vector<16xi32>
      %bitcast_convert_type3A_516 = tpu.bitcast %and3A_515 : vector<16xi32> -> vector<16xf32>
      %get3A_517 = arith.constant 2 : i32
      %get3A_518 = arith.index_cast %get3A_517 : i32 to index
      %get3A_519 = arith.index_cast %add3A_402 : i32 to index
      %get3A_520 = arith.constant 96 : index
      %get3A_521 = tpu.vector_load %arg7[%get3A_518, %get3A_519, %get3A_520] {strides = array<i32>} : memref<3x128x128xf32, #tpu.memory_space<vmem>>, vector<1x1x16xf32>,
      %get3A_522 = vector.shape_cast %get3A_521 : vector<1x1x16xf32> to vector<16xf32>
      %get3A_523 = arith.constant 2 : i32
      %get3A_524 = arith.index_cast %get3A_523 : i32 to index
      %get3A_525 = arith.index_cast %add3A_402 : i32 to index
      %get3A_526 = arith.constant 112 : index
      %get3A_527 = tpu.vector_load %arg7[%get3A_524, %get3A_525, %get3A_526] {strides = array<i32>} : memref<3x128x128xf32, #tpu.memory_space<vmem>>, vector<1x1x16xf32>,
      %get3A_528 = vector.shape_cast %get3A_527 : vector<1x1x16xf32> to vector<16xf32>
      %sub3A_529 = arith.subf %get3A_522, %bitcast_convert_type3A_512 : vector<16xf32>
      %sub3A_530 = arith.subf %get3A_528, %bitcast_convert_type3A_516 : vector<16xf32>
      %mul3A_531 = arith.mulf %sub3A_529, %sub3A_529 : vector<16xf32>
      %add3A_532 = arith.addf %add3A_396, %mul3A_531 : vector<16xf32>
      %mul3A_533 = arith.mulf %sub3A_530, %sub3A_530 : vector<16xf32>
      %add3A_534 = arith.addf %add3A_398, %mul3A_533 : vector<16xf32>
      scf.yield %add3A_433, %add3A_435, %add3A_466, %add3A_468, %add3A_499, %add3A_501, %add3A_532, %add3A_534 : vector<16xf32>, vector<16xf32>, vector<16xf32>, vector<16xf32>, vector<16xf32>, vector<16xf32>, vector<16xf32>, vector<16xf32>
    }
    %scan3A_217 = arith.constant 64 : i32
    %dma_wait3A_218 = arith.constant 0 : i32
    %dma_wait3A_219 = arith.constant 0 : i32
    %dma_wait3A_220 = arith.constant 0 : i32
    %dma_wait3A_221 = tpu.memref_slice %arg7[%dma_wait3A_218, %dma_wait3A_219, %dma_wait3A_220] : memref<3x128x128xf32, #tpu.memory_space<vmem>> -> memref<1x128x128xf32, #tpu.memory_space<vmem>>
    %dma_wait3A_222 = tpu.memref_squeeze %dma_wait3A_221 : memref<1x128x128xf32, #tpu.memory_space<vmem>> -> memref<128x128xf32, #tpu.memory_space<vmem>>
    %dma_wait3A_223 = arith.constant 0 : i32
    %dma_wait3A_224 = tpu.memref_slice %arg2[%add3A_125, %dma_wait3A_223] : memref<16384x128xf32, #tpu.memory_space<hbm>> -> memref<128x128xf32, #tpu.memory_space<hbm>>
    %dma_wait3A_225 = arith.constant 0 : i32
    %dma_wait3A_226 = arith.constant 0 : i32
    %dma_wait3A_227 = tpu.memref_slice %arg7[%dma_wait3A_218, %dma_wait3A_225, %dma_wait3A_226] : memref<3x128x128xf32, #tpu.memory_space<vmem>> -> memref<1x128x128xf32, #tpu.memory_space<vmem>>
    %dma_wait3A_228 = tpu.memref_squeeze %dma_wait3A_227 : memref<1x128x128xf32, #tpu.memory_space<vmem>> -> memref<128x128xf32, #tpu.memory_space<vmem>>
    %dma_wait3A_229 = arith.constant 0 : i32
    %dma_wait3A_230 = tpu.memref_slice %arg2[%add3A_125, %dma_wait3A_229] : memref<16384x128xf32, #tpu.memory_space<hbm>> -> memref<128x128xf32, #tpu.memory_space<hbm>>
    tpu.wait_dma2 semaphore(%arg10 : memref<!tpu.dma_semaphore, #tpu.memory_space<semaphore_mem>>) src(%dma_wait3A_230 : memref<128x128xf32, #tpu.memory_space<hbm>>) dst(%dma_wait3A_228 : memref<128x128xf32, #tpu.memory_space<vmem>>)
    %dma_wait3A_231 = arith.constant 3 : i32
    %dma_wait3A_232 = arith.constant 0 : i32
    %dma_wait3A_233 = arith.constant 0 : i32
    %dma_wait3A_234 = arith.constant 0 : i32
    %dma_wait3A_235 = tpu.memref_slice %arg8[%dma_wait3A_232, %dma_wait3A_233, %dma_wait3A_234] : memref<3x128x64xf32, #tpu.memory_space<vmem>> -> memref<1x128x64xf32, #tpu.memory_space<vmem>>
    %dma_wait3A_236 = tpu.memref_squeeze %dma_wait3A_235 : memref<1x128x64xf32, #tpu.memory_space<vmem>> -> memref<128x64xf32, #tpu.memory_space<vmem>>
    %dma_wait3A_237 = arith.constant 0 : i32
    %dma_wait3A_238 = tpu.memref_slice %arg6[%dma_wait3A_231, %dma_wait3A_237] : memref<4x128xi32, #tpu.memory_space<vmem>> -> memref<1x128xi32, #tpu.memory_space<vmem>>
    %dma_wait3A_239 = tpu.memref_squeeze %dma_wait3A_238 : memref<1x128xi32, #tpu.memory_space<vmem>> -> memref<128xi32, #tpu.memory_space<vmem>>
    %dma_wait3A_240 = arith.constant 0 : i32
    %dma_wait3A_241 = arith.constant 0 : i32
    %dma_wait3A_242 = tpu.memref_slice %arg4[%dma_wait3A_240, %dma_wait3A_241] : memref<1000x64xf32, #tpu.memory_space<hbm>> -> memref<1000x64xf32, #tpu.memory_space<hbm>>
    tpu.wait_indirect_dma semaphore(%arg13 : memref<!tpu.dma_semaphore, #tpu.memory_space<semaphore_mem>>) src(%dma_wait3A_242 : memref<1000x64xf32, #tpu.memory_space<hbm>>) dst(%dma_wait3A_236 : memref<128x64xf32, #tpu.memory_space<vmem>>)
    %scan3A_243 = arith.constant 0 : i32
    %scan3A_244 = arith.constant 64 : i32
    %scan3A_245 = arith.addi %scan3A_243, %scan3A_244 : i32
    %scan3A_246 = arith.constant 1 : i32
    %scan3A_247:8 = scf.for %scan3A_259 = %scan3A_243 to %scan3A_245 step %scan3A_246 iter_args(%scan3A_260 = %scan3A_216#0, %scan3A_261 = %scan3A_216#1, %scan3A_262 = %scan3A_216#2, %scan3A_263 = %scan3A_216#3, %scan3A_264 = %scan3A_216#4, %scan3A_265 = %scan3A_216#5, %scan3A_266 = %scan3A_216#6, %scan3A_267 = %scan3A_216#7) -> (vector<16xf32>, vector<16xf32>, vector<16xf32>, vector<16xf32>, vector<16xf32>, vector<16xf32>, vector<16xf32>, vector<16xf32>)  : i32 {
      %mul3A_268 = arith.constant 2 : i32
      %mul3A_269 = arith.muli %scan3A_259, %mul3A_268 : i32
      %add3A_270 = arith.constant 0 : i32
      %add3A_271 = arith.addi %mul3A_269, %add3A_270 : i32
      %get3A = arith.constant 0 : i32
      %get3A_272 = arith.index_cast %get3A : i32 to index
      %get3A_273 = arith.index_cast %add3A_271 : i32 to index
      %get3A_274 = arith.constant 0 : index
      %get3A_275 = tpu.vector_load %arg8[%get3A_272, %get3A_273, %get3A_274] {strides = array<i32>} : memref<3x128x64xf32, #tpu.memory_space<vmem>>, vector<1x1x16xf32>,
      %get3A_276 = vector.shape_cast %get3A_275 : vector<1x1x16xf32> to vector<16xf32>
      %bitcast_convert_type3A = tpu.bitcast %get3A_276 : vector<16xf32> -> vector<16xi32>
      %shift_left3A = arith.constant 16 : i32
      %shift_left3A_277 = vector.broadcast %shift_left3A : i32 to vector<16xi32>
      %shift_left3A_278 = arith.shli %bitcast_convert_type3A, %shift_left3A_277 : vector<16xi32>
      %bitcast_convert_type3A_279 = tpu.bitcast %shift_left3A_278 : vector<16xi32> -> vector<16xf32>
      %and3A = arith.constant -65536 : i32
      %and3A_280 = vector.broadcast %and3A : i32 to vector<16xi32>
      %and3A_281 = arith.andi %bitcast_convert_type3A, %and3A_280 : vector<16xi32>
      %bitcast_convert_type3A_282 = tpu.bitcast %and3A_281 : vector<16xi32> -> vector<16xf32>
      %get3A_283 = arith.constant 0 : i32
      %get3A_284 = arith.index_cast %get3A_283 : i32 to index
      %get3A_285 = arith.index_cast %add3A_271 : i32 to index
      %get3A_286 = arith.constant 0 : index
      %get3A_287 = tpu.vector_load %arg7[%get3A_284, %get3A_285, %get3A_286] {strides = array<i32>} : memref<3x128x128xf32, #tpu.memory_space<vmem>>, vector<1x1x16xf32>,
      %get3A_288 = vector.shape_cast %get3A_287 : vector<1x1x16xf32> to vector<16xf32>
      %get3A_289 = arith.constant 0 : i32
      %get3A_290 = arith.index_cast %get3A_289 : i32 to index
      %get3A_291 = arith.index_cast %add3A_271 : i32 to index
      %get3A_292 = arith.constant 16 : index
      %get3A_293 = tpu.vector_load %arg7[%get3A_290, %get3A_291, %get3A_292] {strides = array<i32>} : memref<3x128x128xf32, #tpu.memory_space<vmem>>, vector<1x1x16xf32>,
      %get3A_294 = vector.shape_cast %get3A_293 : vector<1x1x16xf32> to vector<16xf32>
      %sub3A = arith.subf %get3A_288, %bitcast_convert_type3A_279 : vector<16xf32>
      %sub3A_295 = arith.subf %get3A_294, %bitcast_convert_type3A_282 : vector<16xf32>
      %mul3A_296 = arith.mulf %sub3A, %sub3A : vector<16xf32>
      %add3A_297 = arith.addf %scan3A_260, %mul3A_296 : vector<16xf32>
      %mul3A_298 = arith.mulf %sub3A_295, %sub3A_295 : vector<16xf32>
      %add3A_299 = arith.addf %scan3A_261, %mul3A_298 : vector<16xf32>
      %get3A_300 = arith.constant 0 : i32
      %get3A_301 = arith.index_cast %get3A_300 : i32 to index
      %get3A_302 = arith.index_cast %add3A_271 : i32 to index
      %get3A_303 = arith.constant 16 : index
      %get3A_304 = tpu.vector_load %arg8[%get3A_301, %get3A_302, %get3A_303] {strides = array<i32>} : memref<3x128x64xf32, #tpu.memory_space<vmem>>, vector<1x1x16xf32>,
      %get3A_305 = vector.shape_cast %get3A_304 : vector<1x1x16xf32> to vector<16xf32>
      %bitcast_convert_type3A_306 = tpu.bitcast %get3A_305 : vector<16xf32> -> vector<16xi32>
      %shift_left3A_307 = arith.constant 16 : i32
      %shift_left3A_308 = vector.broadcast %shift_left3A_307 : i32 to vector<16xi32>
      %shift_left3A_309 = arith.shli %bitcast_convert_type3A_306, %shift_left3A_308 : vector<16xi32>
      %bitcast_convert_type3A_310 = tpu.bitcast %shift_left3A_309 : vector<16xi32> -> vector<16xf32>
      %and3A_311 = arith.constant -65536 : i32
      %and3A_312 = vector.broadcast %and3A_311 : i32 to vector<16xi32>
      %and3A_313 = arith.andi %bitcast_convert_type3A_306, %and3A_312 : vector<16xi32>
      %bitcast_convert_type3A_314 = tpu.bitcast %and3A_313 : vector<16xi32> -> vector<16xf32>
      %get3A_315 = arith.constant 0 : i32
      %get3A_316 = arith.index_cast %get3A_315 : i32 to index
      %get3A_317 = arith.index_cast %add3A_271 : i32 to index
      %get3A_318 = arith.constant 32 : index
      %get3A_319 = tpu.vector_load %arg7[%get3A_316, %get3A_317, %get3A_318] {strides = array<i32>} : memref<3x128x128xf32, #tpu.memory_space<vmem>>, vector<1x1x16xf32>,
      %get3A_320 = vector.shape_cast %get3A_319 : vector<1x1x16xf32> to vector<16xf32>
      %get3A_321 = arith.constant 0 : i32
      %get3A_322 = arith.index_cast %get3A_321 : i32 to index
      %get3A_323 = arith.index_cast %add3A_271 : i32 to index
      %get3A_324 = arith.constant 48 : index
      %get3A_325 = tpu.vector_load %arg7[%get3A_322, %get3A_323, %get3A_324] {strides = array<i32>} : memref<3x128x128xf32, #tpu.memory_space<vmem>>, vector<1x1x16xf32>,
      %get3A_326 = vector.shape_cast %get3A_325 : vector<1x1x16xf32> to vector<16xf32>
      %sub3A_327 = arith.subf %get3A_320, %bitcast_convert_type3A_310 : vector<16xf32>
      %sub3A_328 = arith.subf %get3A_326, %bitcast_convert_type3A_314 : vector<16xf32>
      %mul3A_329 = arith.mulf %sub3A_327, %sub3A_327 : vector<16xf32>
      %add3A_330 = arith.addf %scan3A_262, %mul3A_329 : vector<16xf32>
      %mul3A_331 = arith.mulf %sub3A_328, %sub3A_328 : vector<16xf32>
      %add3A_332 = arith.addf %scan3A_263, %mul3A_331 : vector<16xf32>
      %get3A_333 = arith.constant 0 : i32
      %get3A_334 = arith.index_cast %get3A_333 : i32 to index
      %get3A_335 = arith.index_cast %add3A_271 : i32 to index
      %get3A_336 = arith.constant 32 : index
      %get3A_337 = tpu.vector_load %arg8[%get3A_334, %get3A_335, %get3A_336] {strides = array<i32>} : memref<3x128x64xf32, #tpu.memory_space<vmem>>, vector<1x1x16xf32>,
      %get3A_338 = vector.shape_cast %get3A_337 : vector<1x1x16xf32> to vector<16xf32>
      %bitcast_convert_type3A_339 = tpu.bitcast %get3A_338 : vector<16xf32> -> vector<16xi32>
      %shift_left3A_340 = arith.constant 16 : i32
      %shift_left3A_341 = vector.broadcast %shift_left3A_340 : i32 to vector<16xi32>
      %shift_left3A_342 = arith.shli %bitcast_convert_type3A_339, %shift_left3A_341 : vector<16xi32>
      %bitcast_convert_type3A_343 = tpu.bitcast %shift_left3A_342 : vector<16xi32> -> vector<16xf32>
      %and3A_344 = arith.constant -65536 : i32
      %and3A_345 = vector.broadcast %and3A_344 : i32 to vector<16xi32>
      %and3A_346 = arith.andi %bitcast_convert_type3A_339, %and3A_345 : vector<16xi32>
      %bitcast_convert_type3A_347 = tpu.bitcast %and3A_346 : vector<16xi32> -> vector<16xf32>
      %get3A_348 = arith.constant 0 : i32
      %get3A_349 = arith.index_cast %get3A_348 : i32 to index
      %get3A_350 = arith.index_cast %add3A_271 : i32 to index
      %get3A_351 = arith.constant 64 : index
      %get3A_352 = tpu.vector_load %arg7[%get3A_349, %get3A_350, %get3A_351] {strides = array<i32>} : memref<3x128x128xf32, #tpu.memory_space<vmem>>, vector<1x1x16xf32>,
      %get3A_353 = vector.shape_cast %get3A_352 : vector<1x1x16xf32> to vector<16xf32>
      %get3A_354 = arith.constant 0 : i32
      %get3A_355 = arith.index_cast %get3A_354 : i32 to index
      %get3A_356 = arith.index_cast %add3A_271 : i32 to index
      %get3A_357 = arith.constant 80 : index
      %get3A_358 = tpu.vector_load %arg7[%get3A_355, %get3A_356, %get3A_357] {strides = array<i32>} : memref<3x128x128xf32, #tpu.memory_space<vmem>>, vector<1x1x16xf32>,
      %get3A_359 = vector.shape_cast %get3A_358 : vector<1x1x16xf32> to vector<16xf32>
      %sub3A_360 = arith.subf %get3A_353, %bitcast_convert_type3A_343 : vector<16xf32>
      %sub3A_361 = arith.subf %get3A_359, %bitcast_convert_type3A_347 : vector<16xf32>
      %mul3A_362 = arith.mulf %sub3A_360, %sub3A_360 : vector<16xf32>
      %add3A_363 = arith.addf %scan3A_264, %mul3A_362 : vector<16xf32>
      %mul3A_364 = arith.mulf %sub3A_361, %sub3A_361 : vector<16xf32>
      %add3A_365 = arith.addf %scan3A_265, %mul3A_364 : vector<16xf32>
      %get3A_366 = arith.constant 0 : i32
      %get3A_367 = arith.index_cast %get3A_366 : i32 to index
      %get3A_368 = arith.index_cast %add3A_271 : i32 to index
      %get3A_369 = arith.constant 48 : index
      %get3A_370 = tpu.vector_load %arg8[%get3A_367, %get3A_368, %get3A_369] {strides = array<i32>} : memref<3x128x64xf32, #tpu.memory_space<vmem>>, vector<1x1x16xf32>,
      %get3A_371 = vector.shape_cast %get3A_370 : vector<1x1x16xf32> to vector<16xf32>
      %bitcast_convert_type3A_372 = tpu.bitcast %get3A_371 : vector<16xf32> -> vector<16xi32>
      %shift_left3A_373 = arith.constant 16 : i32
      %shift_left3A_374 = vector.broadcast %shift_left3A_373 : i32 to vector<16xi32>
      %shift_left3A_375 = arith.shli %bitcast_convert_type3A_372, %shift_left3A_374 : vector<16xi32>
      %bitcast_convert_type3A_376 = tpu.bitcast %shift_left3A_375 : vector<16xi32> -> vector<16xf32>
      %and3A_377 = arith.constant -65536 : i32
      %and3A_378 = vector.broadcast %and3A_377 : i32 to vector<16xi32>
      %and3A_379 = arith.andi %bitcast_convert_type3A_372, %and3A_378 : vector<16xi32>
      %bitcast_convert_type3A_380 = tpu.bitcast %and3A_379 : vector<16xi32> -> vector<16xf32>
      %get3A_381 = arith.constant 0 : i32
      %get3A_382 = arith.index_cast %get3A_381 : i32 to index
      %get3A_383 = arith.index_cast %add3A_271 : i32 to index
      %get3A_384 = arith.constant 96 : index
      %get3A_385 = tpu.vector_load %arg7[%get3A_382, %get3A_383, %get3A_384] {strides = array<i32>} : memref<3x128x128xf32, #tpu.memory_space<vmem>>, vector<1x1x16xf32>,
      %get3A_386 = vector.shape_cast %get3A_385 : vector<1x1x16xf32> to vector<16xf32>
      %get3A_387 = arith.constant 0 : i32
      %get3A_388 = arith.index_cast %get3A_387 : i32 to index
      %get3A_389 = arith.index_cast %add3A_271 : i32 to index
      %get3A_390 = arith.constant 112 : index
      %get3A_391 = tpu.vector_load %arg7[%get3A_388, %get3A_389, %get3A_390] {strides = array<i32>} : memref<3x128x128xf32, #tpu.memory_space<vmem>>, vector<1x1x16xf32>,
      %get3A_392 = vector.shape_cast %get3A_391 : vector<1x1x16xf32> to vector<16xf32>
      %sub3A_393 = arith.subf %get3A_386, %bitcast_convert_type3A_376 : vector<16xf32>
      %sub3A_394 = arith.subf %get3A_392, %bitcast_convert_type3A_380 : vector<16xf32>
      %mul3A_395 = arith.mulf %sub3A_393, %sub3A_393 : vector<16xf32>
      %add3A_396 = arith.addf %scan3A_266, %mul3A_395 : vector<16xf32>
      %mul3A_397 = arith.mulf %sub3A_394, %sub3A_394 : vector<16xf32>
      %add3A_398 = arith.addf %scan3A_267, %mul3A_397 : vector<16xf32>
      %mul3A_399 = arith.constant 2 : i32
      %mul3A_400 = arith.muli %scan3A_259, %mul3A_399 : i32
      %add3A_401 = arith.constant 1 : i32
      %add3A_402 = arith.addi %mul3A_400, %add3A_401 : i32
      %get3A_403 = arith.constant 0 : i32
      %get3A_404 = arith.index_cast %get3A_403 : i32 to index
      %get3A_405 = arith.index_cast %add3A_402 : i32 to index
      %get3A_406 = arith.constant 0 : index
      %get3A_407 = tpu.vector_load %arg8[%get3A_404, %get3A_405, %get3A_406] {strides = array<i32>} : memref<3x128x64xf32, #tpu.memory_space<vmem>>, vector<1x1x16xf32>,
      %get3A_408 = vector.shape_cast %get3A_407 : vector<1x1x16xf32> to vector<16xf32>
      %bitcast_convert_type3A_409 = tpu.bitcast %get3A_408 : vector<16xf32> -> vector<16xi32>
      %shift_left3A_410 = arith.constant 16 : i32
      %shift_left3A_411 = vector.broadcast %shift_left3A_410 : i32 to vector<16xi32>
      %shift_left3A_412 = arith.shli %bitcast_convert_type3A_409, %shift_left3A_411 : vector<16xi32>
      %bitcast_convert_type3A_413 = tpu.bitcast %shift_left3A_412 : vector<16xi32> -> vector<16xf32>
      %and3A_414 = arith.constant -65536 : i32
      %and3A_415 = vector.broadcast %and3A_414 : i32 to vector<16xi32>
      %and3A_416 = arith.andi %bitcast_convert_type3A_409, %and3A_415 : vector<16xi32>
      %bitcast_convert_type3A_417 = tpu.bitcast %and3A_416 : vector<16xi32> -> vector<16xf32>
      %get3A_418 = arith.constant 0 : i32
      %get3A_419 = arith.index_cast %get3A_418 : i32 to index
      %get3A_420 = arith.index_cast %add3A_402 : i32 to index
      %get3A_421 = arith.constant 0 : index
      %get3A_422 = tpu.vector_load %arg7[%get3A_419, %get3A_420, %get3A_421] {strides = array<i32>} : memref<3x128x128xf32, #tpu.memory_space<vmem>>, vector<1x1x16xf32>,
      %get3A_423 = vector.shape_cast %get3A_422 : vector<1x1x16xf32> to vector<16xf32>
      %get3A_424 = arith.constant 0 : i32
      %get3A_425 = arith.index_cast %get3A_424 : i32 to index
      %get3A_426 = arith.index_cast %add3A_402 : i32 to index
      %get3A_427 = arith.constant 16 : index
      %get3A_428 = tpu.vector_load %arg7[%get3A_425, %get3A_426, %get3A_427] {strides = array<i32>} : memref<3x128x128xf32, #tpu.memory_space<vmem>>, vector<1x1x16xf32>,
      %get3A_429 = vector.shape_cast %get3A_428 : vector<1x1x16xf32> to vector<16xf32>
      %sub3A_430 = arith.subf %get3A_423, %bitcast_convert_type3A_413 : vector<16xf32>
      %sub3A_431 = arith.subf %get3A_429, %bitcast_convert_type3A_417 : vector<16xf32>
      %mul3A_432 = arith.mulf %sub3A_430, %sub3A_430 : vector<16xf32>
      %add3A_433 = arith.addf %add3A_297, %mul3A_432 : vector<16xf32>
      %mul3A_434 = arith.mulf %sub3A_431, %sub3A_431 : vector<16xf32>
      %add3A_435 = arith.addf %add3A_299, %mul3A_434 : vector<16xf32>
      %get3A_436 = arith.constant 0 : i32
      %get3A_437 = arith.index_cast %get3A_436 : i32 to index
      %get3A_438 = arith.index_cast %add3A_402 : i32 to index
      %get3A_439 = arith.constant 16 : index
      %get3A_440 = tpu.vector_load %arg8[%get3A_437, %get3A_438, %get3A_439] {strides = array<i32>} : memref<3x128x64xf32, #tpu.memory_space<vmem>>, vector<1x1x16xf32>,
      %get3A_441 = vector.shape_cast %get3A_440 : vector<1x1x16xf32> to vector<16xf32>
      %bitcast_convert_type3A_442 = tpu.bitcast %get3A_441 : vector<16xf32> -> vector<16xi32>
      %shift_left3A_443 = arith.constant 16 : i32
      %shift_left3A_444 = vector.broadcast %shift_left3A_443 : i32 to vector<16xi32>
      %shift_left3A_445 = arith.shli %bitcast_convert_type3A_442, %shift_left3A_444 : vector<16xi32>
      %bitcast_convert_type3A_446 = tpu.bitcast %shift_left3A_445 : vector<16xi32> -> vector<16xf32>
      %and3A_447 = arith.constant -65536 : i32
      %and3A_448 = vector.broadcast %and3A_447 : i32 to vector<16xi32>
      %and3A_449 = arith.andi %bitcast_convert_type3A_442, %and3A_448 : vector<16xi32>
      %bitcast_convert_type3A_450 = tpu.bitcast %and3A_449 : vector<16xi32> -> vector<16xf32>
      %get3A_451 = arith.constant 0 : i32
      %get3A_452 = arith.index_cast %get3A_451 : i32 to index
      %get3A_453 = arith.index_cast %add3A_402 : i32 to index
      %get3A_454 = arith.constant 32 : index
      %get3A_455 = tpu.vector_load %arg7[%get3A_452, %get3A_453, %get3A_454] {strides = array<i32>} : memref<3x128x128xf32, #tpu.memory_space<vmem>>, vector<1x1x16xf32>,
      %get3A_456 = vector.shape_cast %get3A_455 : vector<1x1x16xf32> to vector<16xf32>
      %get3A_457 = arith.constant 0 : i32
      %get3A_458 = arith.index_cast %get3A_457 : i32 to index
      %get3A_459 = arith.index_cast %add3A_402 : i32 to index
      %get3A_460 = arith.constant 48 : index
      %get3A_461 = tpu.vector_load %arg7[%get3A_458, %get3A_459, %get3A_460] {strides = array<i32>} : memref<3x128x128xf32, #tpu.memory_space<vmem>>, vector<1x1x16xf32>,
      %get3A_462 = vector.shape_cast %get3A_461 : vector<1x1x16xf32> to vector<16xf32>
      %sub3A_463 = arith.subf %get3A_456, %bitcast_convert_type3A_446 : vector<16xf32>
      %sub3A_464 = arith.subf %get3A_462, %bitcast_convert_type3A_450 : vector<16xf32>
      %mul3A_465 = arith.mulf %sub3A_463, %sub3A_463 : vector<16xf32>
      %add3A_466 = arith.addf %add3A_330, %mul3A_465 : vector<16xf32>
      %mul3A_467 = arith.mulf %sub3A_464, %sub3A_464 : vector<16xf32>
      %add3A_468 = arith.addf %add3A_332, %mul3A_467 : vector<16xf32>
      %get3A_469 = arith.constant 0 : i32
      %get3A_470 = arith.index_cast %get3A_469 : i32 to index
      %get3A_471 = arith.index_cast %add3A_402 : i32 to index
      %get3A_472 = arith.constant 32 : index
      %get3A_473 = tpu.vector_load %arg8[%get3A_470, %get3A_471, %get3A_472] {strides = array<i32>} : memref<3x128x64xf32, #tpu.memory_space<vmem>>, vector<1x1x16xf32>,
      %get3A_474 = vector.shape_cast %get3A_473 : vector<1x1x16xf32> to vector<16xf32>
      %bitcast_convert_type3A_475 = tpu.bitcast %get3A_474 : vector<16xf32> -> vector<16xi32>
      %shift_left3A_476 = arith.constant 16 : i32
      %shift_left3A_477 = vector.broadcast %shift_left3A_476 : i32 to vector<16xi32>
      %shift_left3A_478 = arith.shli %bitcast_convert_type3A_475, %shift_left3A_477 : vector<16xi32>
      %bitcast_convert_type3A_479 = tpu.bitcast %shift_left3A_478 : vector<16xi32> -> vector<16xf32>
      %and3A_480 = arith.constant -65536 : i32
      %and3A_481 = vector.broadcast %and3A_480 : i32 to vector<16xi32>
      %and3A_482 = arith.andi %bitcast_convert_type3A_475, %and3A_481 : vector<16xi32>
      %bitcast_convert_type3A_483 = tpu.bitcast %and3A_482 : vector<16xi32> -> vector<16xf32>
      %get3A_484 = arith.constant 0 : i32
      %get3A_485 = arith.index_cast %get3A_484 : i32 to index
      %get3A_486 = arith.index_cast %add3A_402 : i32 to index
      %get3A_487 = arith.constant 64 : index
      %get3A_488 = tpu.vector_load %arg7[%get3A_485, %get3A_486, %get3A_487] {strides = array<i32>} : memref<3x128x128xf32, #tpu.memory_space<vmem>>, vector<1x1x16xf32>,
      %get3A_489 = vector.shape_cast %get3A_488 : vector<1x1x16xf32> to vector<16xf32>
      %get3A_490 = arith.constant 0 : i32
      %get3A_491 = arith.index_cast %get3A_490 : i32 to index
      %get3A_492 = arith.index_cast %add3A_402 : i32 to index
      %get3A_493 = arith.constant 80 : index
      %get3A_494 = tpu.vector_load %arg7[%get3A_491, %get3A_492, %get3A_493] {strides = array<i32>} : memref<3x128x128xf32, #tpu.memory_space<vmem>>, vector<1x1x16xf32>,
      %get3A_495 = vector.shape_cast %get3A_494 : vector<1x1x16xf32> to vector<16xf32>
      %sub3A_496 = arith.subf %get3A_489, %bitcast_convert_type3A_479 : vector<16xf32>
      %sub3A_497 = arith.subf %get3A_495, %bitcast_convert_type3A_483 : vector<16xf32>
      %mul3A_498 = arith.mulf %sub3A_496, %sub3A_496 : vector<16xf32>
      %add3A_499 = arith.addf %add3A_363, %mul3A_498 : vector<16xf32>
      %mul3A_500 = arith.mulf %sub3A_497, %sub3A_497 : vector<16xf32>
      %add3A_501 = arith.addf %add3A_365, %mul3A_500 : vector<16xf32>
      %get3A_502 = arith.constant 0 : i32
      %get3A_503 = arith.index_cast %get3A_502 : i32 to index
      %get3A_504 = arith.index_cast %add3A_402 : i32 to index
      %get3A_505 = arith.constant 48 : index
      %get3A_506 = tpu.vector_load %arg8[%get3A_503, %get3A_504, %get3A_505] {strides = array<i32>} : memref<3x128x64xf32, #tpu.memory_space<vmem>>, vector<1x1x16xf32>,
      %get3A_507 = vector.shape_cast %get3A_506 : vector<1x1x16xf32> to vector<16xf32>
      %bitcast_convert_type3A_508 = tpu.bitcast %get3A_507 : vector<16xf32> -> vector<16xi32>
      %shift_left3A_509 = arith.constant 16 : i32
      %shift_left3A_510 = vector.broadcast %shift_left3A_509 : i32 to vector<16xi32>
      %shift_left3A_511 = arith.shli %bitcast_convert_type3A_508, %shift_left3A_510 : vector<16xi32>
      %bitcast_convert_type3A_512 = tpu.bitcast %shift_left3A_511 : vector<16xi32> -> vector<16xf32>
      %and3A_513 = arith.constant -65536 : i32
      %and3A_514 = vector.broadcast %and3A_513 : i32 to vector<16xi32>
      %and3A_515 = arith.andi %bitcast_convert_type3A_508, %and3A_514 : vector<16xi32>
      %bitcast_convert_type3A_516 = tpu.bitcast %and3A_515 : vector<16xi32> -> vector<16xf32>
      %get3A_517 = arith.constant 0 : i32
      %get3A_518 = arith.index_cast %get3A_517 : i32 to index
      %get3A_519 = arith.index_cast %add3A_402 : i32 to index
      %get3A_520 = arith.constant 96 : index
      %get3A_521 = tpu.vector_load %arg7[%get3A_518, %get3A_519, %get3A_520] {strides = array<i32>} : memref<3x128x128xf32, #tpu.memory_space<vmem>>, vector<1x1x16xf32>,
      %get3A_522 = vector.shape_cast %get3A_521 : vector<1x1x16xf32> to vector<16xf32>
      %get3A_523 = arith.constant 0 : i32
      %get3A_524 = arith.index_cast %get3A_523 : i32 to index
      %get3A_525 = arith.index_cast %add3A_402 : i32 to index
      %get3A_526 = arith.constant 112 : index
      %get3A_527 = tpu.vector_load %arg7[%get3A_524, %get3A_525, %get3A_526] {strides = array<i32>} : memref<3x128x128xf32, #tpu.memory_space<vmem>>, vector<1x1x16xf32>,
      %get3A_528 = vector.shape_cast %get3A_527 : vector<1x1x16xf32> to vector<16xf32>
      %sub3A_529 = arith.subf %get3A_522, %bitcast_convert_type3A_512 : vector<16xf32>
      %sub3A_530 = arith.subf %get3A_528, %bitcast_convert_type3A_516 : vector<16xf32>
      %mul3A_531 = arith.mulf %sub3A_529, %sub3A_529 : vector<16xf32>
      %add3A_532 = arith.addf %add3A_396, %mul3A_531 : vector<16xf32>
      %mul3A_533 = arith.mulf %sub3A_530, %sub3A_530 : vector<16xf32>
      %add3A_534 = arith.addf %add3A_398, %mul3A_533 : vector<16xf32>
      scf.yield %add3A_433, %add3A_435, %add3A_466, %add3A_468, %add3A_499, %add3A_501, %add3A_532, %add3A_534 : vector<16xf32>, vector<16xf32>, vector<16xf32>, vector<16xf32>, vector<16xf32>, vector<16xf32>, vector<16xf32>, vector<16xf32>
    }
    %scan3A_248 = arith.constant 64 : i32
    %add3A_249 = arith.addf %scan3A_247#0, %scan3A_247#1 : vector<16xf32>
    %add3A_250 = arith.addf %add3A_249, %scan3A_247#2 : vector<16xf32>
    %add3A_251 = arith.addf %add3A_250, %scan3A_247#3 : vector<16xf32>
    %add3A_252 = arith.addf %add3A_251, %scan3A_247#4 : vector<16xf32>
    %add3A_253 = arith.addf %add3A_252, %scan3A_247#5 : vector<16xf32>
    %add3A_254 = arith.addf %add3A_253, %scan3A_247#6 : vector<16xf32>
    %add3A_255 = arith.addf %add3A_254, %scan3A_247#7 : vector<16xf32>
    %swap3A = arith.constant 0 : index
    %swap3A_256 = tpu.vector_load %arg9[%swap3A] {strides = array<i32>} : memref<16xf32, #tpu.memory_space<vmem>>, vector<16xf32>,
    %swap3A_257 = vector.shape_cast %swap3A_256 : vector<16xf32> to vector<16xf32>
    %swap3A_258 = vector.shape_cast %add3A_255 : vector<16xf32> to vector<16xf32>
    tpu.vector_store %arg9[%swap3A], %swap3A_258 {strides = array<i32>} : memref<16xf32, #tpu.memory_space<vmem>>, vector<16xf32>,
    "tpu.region"() ({
      %run_scoped3A = tpu.sem_alloc : memref<!tpu.dma_semaphore, #tpu.memory_space<semaphore_mem>>
      %dma_start3A_259 = arith.constant 0 : i32
      %dma_start3A_260 = tpu.memref_slice %arg5[%add3A, %dma_start3A_259] : memref<32x16xf32, #tpu.memory_space<hbm>> -> memref<1x16xf32, #tpu.memory_space<hbm>>
      %dma_start3A_261 = tpu.memref_squeeze %dma_start3A_260 : memref<1x16xf32, #tpu.memory_space<hbm>> -> memref<16xf32, #tpu.memory_space<hbm>>
      %dma_start3A_262 = arith.constant 0 : i32
      %dma_start3A_263 = tpu.memref_slice %arg5[%add3A, %dma_start3A_262] : memref<32x16xf32, #tpu.memory_space<hbm>> -> memref<1x16xf32, #tpu.memory_space<hbm>>
      %dma_start3A_264 = tpu.memref_squeeze %dma_start3A_263 : memref<1x16xf32, #tpu.memory_space<hbm>> -> memref<16xf32, #tpu.memory_space<hbm>>
      tpu.enqueue_dma source(%arg9 : memref<16xf32, #tpu.memory_space<vmem>>) target(%dma_start3A_264 : memref<16xf32, #tpu.memory_space<hbm>>) target_semaphore(%run_scoped3A : memref<!tpu.dma_semaphore, #tpu.memory_space<semaphore_mem>>)
      %dma_wait3A_265 = arith.constant 0 : i32
      %dma_wait3A_266 = tpu.memref_slice %arg5[%add3A, %dma_wait3A_265] : memref<32x16xf32, #tpu.memory_space<hbm>> -> memref<1x16xf32, #tpu.memory_space<hbm>>
      %dma_wait3A_267 = tpu.memref_squeeze %dma_wait3A_266 : memref<1x16xf32, #tpu.memory_space<hbm>> -> memref<16xf32, #tpu.memory_space<hbm>>
      %dma_wait3A_268 = arith.constant 0 : i32
      %dma_wait3A_269 = tpu.memref_slice %arg5[%add3A, %dma_wait3A_268] : memref<32x16xf32, #tpu.memory_space<hbm>> -> memref<1x16xf32, #tpu.memory_space<hbm>>
      %dma_wait3A_270 = tpu.memref_squeeze %dma_wait3A_269 : memref<1x16xf32, #tpu.memory_space<hbm>> -> memref<16xf32, #tpu.memory_space<hbm>>
      tpu.wait_dma2 semaphore(%run_scoped3A : memref<!tpu.dma_semaphore, #tpu.memory_space<semaphore_mem>>) src(%arg9 : memref<16xf32, #tpu.memory_space<vmem>>) dst(%dma_wait3A_270 : memref<16xf32, #tpu.memory_space<hbm>>)
      tpu.yield
    }) : () -> ()
    return
  }
}

module attributes {stable_mosaic.version = 14 : i64} {
  func.func @_finish(%arg0: memref<32x16xf32, #tpu.memory_space<vmem>>, %arg1: memref<1x1xf32, #tpu.memory_space<smem>>) attributes {dimension_semantics = [], scalar_prefetch = 0 : i64, scratch_operands = 0 : i64, tpu.core_type = #tpu.core_type<tc>} {
    %get3A = arith.constant 0 : index
    %get3A_0 = arith.constant 0 : index
    %get3A_1 = vector.load %arg0[%get3A, %get3A_0] : memref<32x16xf32, #tpu.memory_space<vmem>>, vector<32x16xf32>
    %reduce_sum3A = vector.shape_cast %get3A_1 : vector<32x16xf32> to vector<1x32x16xf32>
    %reduce_sum3A_2 = arith.constant dense<0.000000e+00> : vector<1xf32>
    %reduce_sum3A_3 = vector.multi_reduction <add>, %reduce_sum3A, %reduce_sum3A_2 [1, 2] : vector<1x32x16xf32> to vector<1xf32>
    %reduce_sum3A_4 = vector.shape_cast %reduce_sum3A_3 : vector<1xf32> to vector<1x1x1xf32>
    %reduce_sum3A_5 = vector.extract %reduce_sum3A_4[0, 0, 0] : f32 from vector<1x1x1xf32>
    %mul3A = arith.constant 6.10351563E-5 : f32
    %mul3A_6 = arith.mulf %reduce_sum3A_5, %mul3A : f32
    %swap3A = arith.constant 0 : index
    %swap3A_7 = arith.constant 0 : index
    %swap3A_8 = memref.load %arg1[%swap3A, %swap3A_7] : memref<1x1xf32, #tpu.memory_space<smem>>
    memref.store %mul3A_6, %arg1[%swap3A, %swap3A_7] : memref<1x1xf32, #tpu.memory_space<smem>>
    return
  }
}

</mosaic_0001>

<sc_bundles>
// kernel: kernel.4.cloned.1.call-start
scs
__scs_entry_jumppad:
0x0: {  	(pc) =	sbr.rel $0x88, $3  }
0x1: {  	(tag) =	ssettag $0x0;
	lr =	simm.s32 $0x1  }
0x2: {  	[smem:$0x3F9E] =	sst lr;
	_ =	strace $0xD0000000  }
0x3: {  	_ = 	snop  }
0x4: {  	_ = 	snop  }
0x5: {  	_ = 	snop  }
0x6: {  	_ = 	snop  }
0x7: {  	_ = 	snop  }
__scs_overlays_trampoline_lowered:
0x8: {  	[smem:$0x3FAD] =	sst s0  }
0x9: {  	[smem:$0x3FAE] =	sst s1  }
0xa: {  	[smem:$0x3FAF] =	sst s2  }
0xb: {  	[smem:$0x3FB0] =	sst s3  }
0xc: {  	[smem:$0x3FB1] =	sst s4  }
0xd: {  	[smem:$0x3FB2] =	sst s5  }
0xe: {  	[smem:$0x3FB3] =	sst s6  }
0xf: {  	[smem:$0x3FB4] =	sst s7  }
0x10: {  	[smem:$0x3FB5] =	sst s8  }
0x11: {  	[smem:$0x3FB6] =	sst s9;
	s0 =	simm.s32 @!p0 $0x0  }
0x12: {  	s1 =	sld [smem:$0x3F9C];
	s0 =	simm.s32 @p0 $0x1  }
0x13: {  	[smem:$0x3FB7] =	sst s0;
	s0 =	simm.s32 @!p1 $0x0  }
0x14: {  	s2 =	sld [smem:$0x3F9B];
	s0 =	simm.s32 @p1 $0x1  }
0x15: {  	[smem:$0x3FB8] =	sst s0;
	s0 =	simm.s32 @!p2 $0x0  }
0x16: {  	s3 =	sld [smem:$0x3FDB];
	s0 =	simm.s32 @p2 $0x1  }
0x17: {  	s4 =	simm.s32 $0x1BF5;
	[smem:$0x3FBA] =	sst s0  }
0x18: {  	s0 =	sld [smem:$0x3F9D];
	_ =	swait.ge [sflag:s4], $0x0  }
0x19: {  	s7 =	sld [smem:$0x3F9E]  }
0x1a: {  	s8 =	sadd.s32 $0xFFFFE003, lr  }
0x1b: {  	s9 =	sadd.s32 $0xFFFFFEF7, lr;
	s5 =	simm.s32 $0xFFFFFFFF;
	p2 =	slt.u32 s8, $0xFFFFF086  }
0x1c: {  	p1 =	slt.u32 s9, $0xF7A;
	s5 =	simm.s32 @!p2 $0x0  }
0x1d: {  	s5 =	simm.s32 @p1 $0x1;
	p0 =	seq.s32 s7, s2  }
0x1e: {  	s7 =	smul.u32 @!p0 $0xF7A, s2;
	p2 =	seq.s32 @!p0 s5, $0x0  }
0x1f: {  	s9 =	smul.u32 $0xF7A, s1;
	s8 =	simm.s32 @!p0 $0x1BF5;
	p2 =	por !p2, p0  }
0x20: {  	[sflag:s8] =	ssyncset.s32 @!p0 $0xFFFFF086;
	s6 =	sadd.s32 @!p0 s3, s7;
	s7 =	simm.s32 @!p0 $0x108  }
0x21: {  	s3 =	sadd.s32 s3, s9;
	s6 =	sadd.s32 @!p0 $0x88, s6;
	s7 =	simm.s32 @p2 $0x1082  }
0x22: {  	[simem:s7], [sflag:s8] =	dma.local @!p0 [hbm:s6], $0xF7A  }
0x23: {  	s9 =	sor.u32 $0xD0000000, s2;
	s6 =	simm.s32 $0x108;
	_ =	swait.ge @!p0 [sflag:s8], $0x0  }
0x24: {  	s3 =	sadd.s32 $0x88, s3;
	s6 =	simm.s32 @!p1 $0x1082;
	[sflag:s4] =	ssyncset.s32 $0xFFFFF086  }
0x25: {  	[simem:s6], [sflag:s4] =	dma.local [hbm:s3], $0xF7A  }
0x26: {  	[smem:$0x3F9E] =	sst s1;
	(tag) =	ssettag s2;
	_ =	strace s9  }
0x27: {  	s1 =	sld [smem:$0x3FAE]  }
0x28: {  	s2 =	sld [smem:$0x3FAF]  }
0x29: {  	s4 =	sld [smem:$0x3FB1]  }
0x2a: {  	p0 =	seq.s32 s5, $0x0;
	s5 =	sld [smem:$0x3FB2]  }
0x2b: {  	s6 =	sld [smem:$0x3FB3]  }
0x2c: {  	s7 =	sld [smem:$0x3FB4]  }
0x2d: {  	s3 =	simm.s32 $0x108;
	s8 =	sld [smem:$0x3FB5]  }
0x2e: {  	s3 =	simm.s32 @!p0 $0x1082;
	s9 =	sld [smem:$0x3FB6]  }
0x2f: {  	lr =	sadd.s32 s0, s3;
	s0 =	sld [smem:$0x3FAD]  }
0x30: {  	s3 =	sld [smem:$0x3FB0]  }
0x31: {  	[smem:$0x3FB9] =	sst s10  }
0x32: {  	s10 =	sld [smem:$0x3FB7];
	_ =	sdelay $0x3  }
0x33: {  	p0 =	seq.s32 s10, $0x1;
	s10 =	sld [smem:$0x3FB9];
	_ =	sdelay $0x3  }
0x34: {  	[smem:$0x3FB9] =	sst s10  }
0x35: {  	s10 =	sld [smem:$0x3FB8];
	_ =	sdelay $0x3  }
0x36: {  	p1 =	seq.s32 s10, $0x1;
	s10 =	sld [smem:$0x3FB9];
	_ =	sdelay $0x3  }
0x37: {  	[smem:$0x3FB9] =	sst s10  }
0x38: {  	s10 =	sld [smem:$0x3FBA]  }
0x39: {  	_ = 	snop;
	(pc) =	sbr.ind lr, $3  }
0x3a: {  	_ = 	snop  }
0x3b: {  	_ = 	snop  }
0x3c: {  	p2 =	seq.s32 s10, $0x1;
	s10 =	sld [smem:$0x3FB9]  }
0x3d: {  	_ =	shalt  }
0x3e: {  	_ =	shalt  }
0x3f: {  	_ =	shalt  }
0x40: {  	_ =	shalt  }
0x41: {  	_ =	shalt  }
0x42: {  	_ =	shalt  }
0x43: {  	_ =	shalt  }
0x44: {  	_ =	shalt  }
0x45: {  	_ =	shalt  }
0x46: {  	_ =	shalt  }
0x47: {  	_ =	shalt  }
0x48: {  	_ =	shalt  }
0x49: {  	_ =	shalt  }
0x4a: {  	_ =	shalt  }
0x4b: {  	_ =	shalt  }
0x4c: {  	_ =	shalt  }
0x4d: {  	_ =	shalt  }
0x4e: {  	_ =	shalt  }
0x4f: {  	_ =	shalt  }
0x50: {  	_ =	shalt  }
0x51: {  	_ =	shalt  }
0x52: {  	_ =	shalt  }
0x53: {  	_ =	shalt  }
0x54: {  	_ =	shalt  }
0x55: {  	_ =	shalt  }
0x56: {  	_ =	shalt  }
0x57: {  	_ =	shalt  }
0x58: {  	_ =	shalt  }
0x59: {  	_ =	shalt  }
0x5a: {  	_ =	shalt  }
0x5b: {  	_ =	shalt  }
0x5c: {  	_ =	shalt  }
0x5d: {  	_ =	shalt  }
0x5e: {  	_ =	shalt  }
0x5f: {  	_ =	shalt  }
0x60: {  	_ =	shalt  }
0x61: {  	_ =	shalt  }
0x62: {  	_ =	shalt  }
0x63: {  	_ =	shalt  }
0x64: {  	_ =	shalt  }
0x65: {  	_ =	shalt  }
0x66: {  	_ =	shalt  }
0x67: {  	_ =	shalt  }
0x68: {  	_ =	shalt  }
0x69: {  	_ =	shalt  }
0x6a: {  	_ =	shalt  }
0x6b: {  	_ =	shalt  }
0x6c: {  	_ =	shalt  }
0x6d: {  	_ =	shalt  }
0x6e: {  	_ =	shalt  }
0x6f: {  	_ =	shalt  }
0x70: {  	_ =	shalt  }
0x71: {  	_ =	shalt  }
0x72: {  	_ =	shalt  }
0x73: {  	_ =	shalt  }
0x74: {  	_ =	shalt  }
0x75: {  	_ =	shalt  }
0x76: {  	_ =	shalt  }
0x77: {  	_ =	shalt  }
0x78: {  	_ =	shalt  }
0x79: {  	_ =	shalt  }
0x7a: {  	_ =	shalt  }
0x7b: {  	_ =	shalt  }
0x7c: {  	_ =	shalt  }
0x7d: {  	_ =	shalt  }
0x7e: {  	_ =	shalt  }
0x7f: {  	_ =	shalt  }
0x80: {  	_ =	shalt  }
0x81: {  	_ =	shalt  }
0x82: {  	_ =	shalt  }
0x83: {  	_ =	shalt  }
0x84: {  	_ =	shalt  }
0x85: {  	_ =	shalt  }
0x86: {  	_ =	shalt  }
0x87: {  	_ =	shalt  }
.Lfunc_end0:
.L_simem_size_0:
called_computation_lowered:
.L_overlay_start_0:
0x88: {  	s2 =	sld [smem:$0x3FD9]  }
0x89: {  	s3 =	sld [smem:$0x3FFE];
	_ =	sdelay $0x1  }
0x8a: {  	s1 =	srdreg.scid  }
0x8b: {  	s0 =	sand.u32 $0x1, s1  }
0x8c: {  	s17 =	sshll.u32 s0, $0xA;
	s2 =	sadd.s32 s3, s2  }
0x8d: {  	s2 =	sadd.s32 s2, s17  }
0x8e: {  	[smem:$0x3FC5] =	sst s2  }
0x8f: {  	_ = 	snop  }
0x90: {  	s2 =	sld [smem:$0x3FC9]  }
0x91: {  	s18 =	sld [smem:$0x3FC8];
	(tm) =	ssettm $0x1  }
0x92: {  	s4 =	sld [smem:$0x3FFB];
	_ =	sdelay $0x3  }
0x93: {  	_ =	strace s4  }
0x94: {  	s4 =	sld [smem:$0x3FFC];
	_ =	sdelay $0x3  }
0x95: {  	_ =	strace s4  }
0x96: {  	s4 =	sld [smem:$0x3FFD];
	_ =	sdelay $0x3  }
0x97: {  	_ =	strace s4  }
0x98: {  	_ =	strace $0x8FFFFFFF  }
0x99: {  	s19 =	sld [smem:$0x3FDB];
	_ =	sdelay $0x1  }
0x9a: {  	s5 =	simm.s32 $_scs_section_size  }
0x9b: {  	s6 =	simm.s32 $_size__tile_overlayer_lowered;
	s7 =	simm.s32 $_tile_overlayer_lowered  }
0x9c: {  	s22 =	simm.s32 $0x1BFF;
	s21 =	sshll.u32 s7, $0x1;
	s4 =	sadd.s32 s5, s19  }
0x9d: {  	s8 =	simm.s32 $0x0;
	s20 =	sshll.u32 s6, $0x1;
	s6 =	sadd.s32 s21, s4  }
0x9e: {  	[timem:s8], [sflag:s22] =	dma.local [hbm:s6], s20  }
0x9f: {  	_ =	swait.ge [sflag:s22], s20  }
0xa0: {  	s5 =	ssub.s32 $0x0, s20;
	[sflag:s22] =	ssyncset.done $0x0  }
0xa1: {  	[sflag:s22] =	ssyncadd.s32 s5;
	_ =	sdelay $0x1  }
0xa2: {  	s23 =	simm.s32 $0x1B8B  }
0xa3: {  	_ =	swait.ge [sflag:s23], $0x1  }
0xa4: {  	[sflag:s23] =	ssyncset.done $0x0  }
0xa5: {  	s25 =	simm.s32 $0x1B8E;
	s24 =	sld [smem:$0x3FFE];
	[sflag:s23] =	ssyncadd.s32 $0xFFFFFFFF  }
0xa6: {  	s26 =	simm.s32 $execute0_lowered;
	[smem:$0x3FD2] =	sst s25  }
0xa7: {  	s6 =	sshll.u32 s26, $0x1;
	_ =	strace $0x80000046;
	[dreg:$0x1] =	wrdreg $0xFFFFFFFF  }
0xa8: {  	s28 =	simm.s32 $_size_execute0_lowered;
	s4 =	sadd.s32 s4, s6;
	[dreg:$0x0] =	wrdreg $0x0  }
0xa9: {  	s6 =	sshll.u32 s28, $0x1;
	[dreg:$0x2] =	wrdreg s4  }
0xaa: {  	[dreg:$0x3] =	wrdreg s6  }
0xab: {  	[dreg:$0x4] =	wrdreg $0xC0  }
0xac: {  	_ =	task [dreg:s8], $0x5FFFF  }
0xad: {  	[dreg:$0x1] =	wrdreg $0xFFFFFFFF  }
0xae: {  	[dreg:$0x0] =	wrdreg $0x60  }
0xaf: {  	[dreg:$0x2] =	wrdreg s2  }
0xb0: {  	[dreg:$0x3] =	wrdreg s18  }
0xb1: {  	[dreg:$0x4] =	wrdreg s24  }
0xb2: {  	[dreg:$0x5] =	wrdreg $0x9  }
0xb3: {  	_ =	task.clear_ibuf [dreg:s8], $0x6FFFF;
	_ =	strace $0x90000046  }
0xb4: {  	s29 =	simm.s32 $0x9;
	_ =	strace $0x80000048  }
0xb5: {  	_ =	swait.ge [sflag:s29], $0x1  }
0xb6: {  	[sflag:s29] =	ssyncadd.s32 $0xFFFFFFFF  }
0xb7: {  	_ =	strace $0x90000048  }
0xb8: {  	_ =	sfence  }
0xb9: {  	s30 =	sld [smem:$0x0];
	_ =	sdelay $0x2  }
0xba: {  	s31 =	sshll.u32 s1, $0xD;
	s1 =	sshrl.u32 s1, $0x2  }
0xbb: {  	s3 =	sand.u32 $0x4000, s31;
	s1 =	sadd.s32 s1, s30  }
0xbc: {  	s0 =	sor.u32 s3, s0;
	s1 =	sshll.u32 s1, $0x11  }
0xbd: {  	s0 =	sor.u32 s1, s0  }
0xbe: {  	s0 =	sadd.s32 $0x8F2B, s0  }
0xbf: {  	[sflag:s0] =	ssyncadd.remote.s32 $0x1  }
0xc0: {  	_ =	sfence.sel $0xFFFF  }
0xc1: {  	[dreg:$0x0] =	wrdreg $0xFFFFFFFF;
	(pc) =	sbr.abs _section_cstart, $3  }
0xc2: {  	[dreg:$0x1] =	wrdreg $0xFFFFFFFF  }
0xc3: {  	_ =	task.clear_ibuf [dreg:s8], $0x2FFFF;
	_ =	strace $0x9FFFFFFF  }
0xc4: {  	(tm) =	ssettm $0x7FFFFFFF  }
0xc5: {  	_ =	shalt  }
tec
execute0_lowered:
.L_overlay_start_1:
0x0: {  	(tag) =	ssettag $0x1  }
0x1: {  	s0 =	rddreg [dreg:$0x0]  }
0x2: {  	s5 =	rddreg [dreg:$0x1]  }
0x3: {  	s2 =	rddreg [dreg:$0x2];
	s4 =	srdreg.scid  }
0x4: {  	s1 =	stileid.u32;
	s3 =	simm.s32 $0x0;
	s11 =	simm.s32 $0x7  }
0x5: {  	s12 =	simm.s32 $0x200;
	s13 =	simm.s32 $0x80;
	s14 =	simm.s32 $0xC200  }
0x6: {  	s15 =	simm.s32 $0x4200;
	s16 =	simm.s32 $0xE200;
	s17 =	simm.s32 $0x8200  }
0x7: {  	s18 =	simm.s32 $0x100;
	s19 =	simm.s32 $0x10200;
	s20 =	simm.s32 $0x1  }
0x8: {  	s21 =	simm.s32 $0x4;
	s22 =	simm.s32 $0x180;
	s23 =	simm.s32 $0x2  }
0x9: {  	s24 =	simm.s32 $0x5;
	s25 =	simm.s32 $0x3;
	s26 =	simm.s32 $0x6  }
0xa: {  	s28 =	simm.s32 $0x12200;
	s4 =	sand.u32 $0x1, s4;
	s6 =	sshll.u32 s1, $0x1  }
0xb: {  	s29 =	simm.s32 $0x0;
	[smem:$0x7FF] =	sst s3;
	s6 =	sor.u32 s4, s6  }
0xc: {  	_ =	strace $0x80000047;
	s4 =	ssub.s32 $0x2, s4;
	s7 =	sshll.u32 s6, $0x1  }
0xd: {  	s31 =	sshrl.u32 s4, $0x1;
	s8 =	sshll.u32 s6, $0xD;
	s6 =	sshll.u32 s6, $0x6  }
0xe: {  	s9 =	sadd.s32 s7, s2;
	s10 =	ssub.s32 s4, s31;
	s4 =	sadd.s32 s0, s8  }
0xf: {  	s5 =	sadd.s32 s5, s6;
	s6 =	sadd.s32 $0x800, s4;
	s7 =	sadd.s32 $0x1000, s4  }
0x10: {  	s8 =	sadd.s32 $0x1800, s4;
	s9 =	sadd.s32 $0x2000, s9;
	s10 =	smax.u32 s10, $0x1  }
.LBB2_1:
0x11: {  	[tilespmem:s3], [sflag:$0x7] =	stream.linear.gather [hbm4b:s5+s3], $0x200, $0x38;
	[tilespmem:$0x12210] =	vst v63  }
0x12: {  	_ =	swait.ge [sflag:s11], $0x200  }
0x13: {  	[sflag:s11] =	ssyncset.done $0x0  }
0x14: {  	[sflag:s11] =	ssyncadd.s32 $0xFFFFFE00  }
0x15: {  	[tilespmem:s12], [sflag:$0x1] =	stream.linear.gather [hbm4b:s4+s3], $0x4000, $0x38;
	[tilespmem:$0x12210] =	vst v63  }
0x16: {  	_ = 	snop  }
0x17: {  	[tilespmem:s14], [sflag:$0x4] =	stream.indirect.gather [hbm4b:s2+s13], $0x40, s3, s13, $0xb8;
	[tilespmem:$0x12210] =	vst v63  }
0x18: {  	_ = 	snop  }
0x19: {  	[tilespmem:s15], [sflag:$0x2] =	stream.linear.gather [hbm4b:s6+s3], $0x4000, $0x38;
	[tilespmem:$0x12210] =	vst v63  }
0x1a: {  	_ = 	snop  }
0x1b: {  	[tilespmem:s16], [sflag:$0x5] =	stream.indirect.gather [hbm4b:s2+s13], $0x40, s13, s13, $0xb8;
	[tilespmem:$0x12210] =	vst v63  }
0x1c: {  	_ = 	snop  }
0x1d: {  	[tilespmem:s17], [sflag:$0x3] =	stream.linear.gather [hbm4b:s7+s3], $0x4000, $0x38;
	[tilespmem:$0x12210] =	vst v63  }
0x1e: {  	_ = 	snop  }
0x1f: {  	[tilespmem:s19], [sflag:$0x6] =	stream.indirect.gather [hbm4b:s2+s13], $0x40, s18, s13, $0xb8;
	[tilespmem:$0x12210] =	vst v63  }
0x20: {  	_ =	swait.ge [sflag:s20], $0x4000  }
0x21: {  	[sflag:s20] =	ssyncset.done $0x0  }
0x22: {  	[sflag:s20] =	ssyncadd.s32 $0xFFFFC000  }
0x23: {  	_ =	swait.ge [sflag:s21], $0x2000  }
0x24: {  	[sflag:s21] =	ssyncset.done $0x0  }
0x25: {  	[sflag:s21] =	ssyncadd.s32 $0xFFFFE000  }
0x26: {  	[tilespmem:s12], [sflag:$0x1] =	stream.linear.gather [hbm4b:s8+s3], $0x4000, $0x38;
	[tilespmem:$0x12210] =	vst v63  }
0x27: {  	s0 =	simm.s32 $0x280  }
0x28: {  	[tilespmem:s14], [sflag:$0x4] =	stream.indirect.gather [hbm4b:s2+s13], $0x40, s22, s13, $0xb8;
	[tilespmem:$0x12210] =	vst v63  }
0x29: {  	v1 =	vld [tilespmem:s0+$0x0]  }
0x2a: {  	v2 =	vld [tilespmem:s0+$0x10]  }
0x2b: {  	v3 =	vld [tilespmem:s0+$0x20]  }
0x2c: {  	v4 =	vld [tilespmem:s0+$0x30]  }
0x2d: {  	v5 =	vld [tilespmem:s0+$0x40]  }
0x2e: {  	v6 =	vld [tilespmem:s0+$0x50]  }
0x2f: {  	v7 =	vld [tilespmem:s0+$0x60]  }
0x30: {  	s30 =	simm.s32 $0x0;
	v9 =	vld [tilespmem:s0+$0x70]  }
0x31: {  	v8 =	vld [tilespmem:s30+$0xC240]  }
0x32: {  	v10 =	vld [tilespmem:s30+$0xC250]  }
0x33: {  	v11 =	vld [tilespmem:s30+$0xC260]  }
0x34: {  	v12 =	vld [tilespmem:s30+$0xC200]  }
0x35: {  	v13 =	vld [tilespmem:s30+$0xC270]  }
0x36: {  	v14 =	vld [tilespmem:s30+$0xC210]  }
0x37: {  	v0 =	vimm.f32 $0.0e+00;
	v15 =	vld [tilespmem:s0+$0xFFFFFF80];
	v16 =	vshll.u32 v8, $0x10  }
0x38: {  	v17 =	vld [tilespmem:s30+$0xC220];
	v8 =	vand.u32 $0xFFFF0000, v8;
	v18 =	vshll.u32 v10, $0x10;
	v10 =	vand.u32 $0xFFFF0000, v10  }
0x39: {  	v22 =	vld [tilespmem:s0+$0xFFFFFF90];
	v20 =	vshll.u32 v11, $0x10;
	v23 =	vand.u32 $0xFFFF0000, v11;
	v24 =	vshll.u32 v12, $0x10  }
0x3a: {  	v25 =	vld [tilespmem:s30+$0xC230];
	v27 =	vshll.u32 v13, $0x10;
	v28 =	vand.u32 $0xFFFF0000, v13;
	v29 =	vand.u32 $0xFFFF0000, v12  }
0x3b: {  	v31 =	vld [tilespmem:s0+$0xFFFFFFA0];
	v30 =	vshll.u32 v14, $0x10;
	v12 =	vsub.f32 v1, v16;
	v16 =	vsub.f32 v2, v8  }
0x3c: {  	v21 =	vand.u32 $0xFFFF0000, v14;
	v11 =	vsub.f32 v3, v18;
	v14 =	vsub.f32 v4, v10  }
0x3d: {  	v19 =	vshll.u32 v17, $0x10;
	v10 =	vsub.f32 v5, v20;
	v13 =	vsub.f32 v6, v23  }
0x3e: {  	v26 =	vld [tilespmem:s0+$0xFFFFFFB0];
	v20 =	vand.u32 $0xFFFF0000, v17;
	v8 =	vsub.f32 v7, v27;
	v17 =	vsub.f32 v15, v24  }
0x3f: {  	v27 =	vld [tilespmem:s0+$0xFFFFFFC0];
	v15 =	vshll.u32 v25, $0x10;
	v9 =	vsub.f32 v9, v28;
	v23 =	vsub.f32 v22, v29  }
0x40: {  	v28 =	vld [tilespmem:s0+$0xFFFFFFD0];
	v22 =	vsub.f32 v31, v30;
	v18 =	vand.u32 $0xFFFF0000, v25;
	v7 =	vimm.f32 $0.0e+00  }
0x41: {  	v24 =	vld [tilespmem:s0+$0xFFFFFFE0];
	v1 =	vimm.f32 $0.0e+00;
	v2 =	vimm.f32 $0.0e+00;
	v3 =	vimm.f32 $0.0e+00  }
0x42: {  	s31 =	simm.s32 $0x200;
	s30 =	simm.s32 $0x380;
	v25 =	vld [tilespmem:s0+$0xFFFFFFF0];
	v6 =	vimm.f32 $0.0e+00;
	v4 =	vimm.f32 $0.0e+00;
	v5 =	vimm.f32 $0.0e+00  }
.LBB2_2:
0x43: {  	v29 =	vld [tilespmem:s30+$0x0];
	p0 =	sne.s32 s31, $0x7E00;
	v21 =	vsub.f32 v26, v21;
	v12 =	vmul.f32 v12, v12;
	v16 =	vmul.f32 v16, v16  }
0x44: {  	v11 =	vmul.f32 v11, v11;
	v14 =	vmul.f32 v14, v14;
	v30 =	vld [tilespmem:s30+$0x10];
	v19 =	vsub.f32 v27, v19  }
0x45: {  	v10 =	vmul.f32 v10, v10;
	v13 =	vmul.f32 v13, v13;
	v27 =	vld [tilespmem:s30+$0x20];
	v20 =	vsub.f32 v28, v20  }
0x46: {  	v17 =	vmul.f32 v17, v17;
	v23 =	vmul.f32 v23, v23;
	v28 =	vld [tilespmem:s30+$0x30];
	v15 =	vsub.f32 v24, v15  }
0x47: {  	v22 =	vmul.f32 v22, v22;
	v21 =	vmul.f32 v21, v21;
	v24 =	vld [tilespmem:s30+$0x40];
	v18 =	vsub.f32 v25, v18  }
0x48: {  	v0 =	vadd.f32 v17, v0;
	v7 =	vadd.f32 v23, v7;
	v17 =	vmul.f32 v19, v19;
	v25 =	vld [tilespmem:s30+$0x50]  }
0x49: {  	v1 =	vadd.f32 v22, v1;
	v2 =	vadd.f32 v21, v2;
	v19 =	vmul.f32 v20, v20;
	v23 =	vld [tilespmem:s30+$0x60]  }
0x4a: {  	s0 =	sshra.s32 s31, $0x2;
	v0 =	vadd.f32 v12, v0;
	v15 =	vmul.f32 v15, v15;
	v7 =	vadd.f32 v16, v7;
	v22 =	vld [tilespmem:s30+$0x70]  }
0x4b: {  	v1 =	vadd.f32 v11, v1;
	v16 =	vmul.f32 v18, v18;
	v2 =	vadd.f32 v14, v2;
	v12 =	vld [tilespmem:s0+$0xC240]  }
0x4c: {  	v8 =	vmul.f32 v8, v8;
	v3 =	vadd.f32 v17, v3;
	v6 =	vadd.f32 v19, v6;
	v11 =	vld [tilespmem:s0+$0xC250]  }
0x4d: {  	v9 =	vmul.f32 v9, v9;
	v4 =	vadd.f32 v15, v4;
	v5 =	vadd.f32 v16, v5;
	v14 =	vld [tilespmem:s0+$0xC260]  }
0x4e: {  	v3 =	vadd.f32 v10, v3;
	v6 =	vadd.f32 v13, v6;
	v15 =	vld [tilespmem:s0+$0xC270]  }
0x4f: {  	v4 =	vadd.f32 v8, v4;
	v5 =	vadd.f32 v9, v5;
	v10 =	vld [tilespmem:s0+$0xC200]  }
0x50: {  	v8 =	vld [tilespmem:s0+$0xC210]  }
0x51: {  	v9 =	vld [tilespmem:s30+$0xFFFFFF80]  }
0x52: {  	v16 =	vshll.u32 v12, $0x10;
	v17 =	vand.u32 $0xFFFF0000, v12;
	v18 =	vshll.u32 v11, $0x10;
	v13 =	vld [tilespmem:s0+$0xC220]  }
0x53: {  	v20 =	vand.u32 $0xFFFF0000, v11;
	v32 =	vshll.u32 v14, $0x10;
	v33 =	vand.u32 $0xFFFF0000, v14;
	v31 =	vld [tilespmem:s30+$0xFFFFFF90]  }
0x54: {  	v36 =	vshll.u32 v15, $0x10;
	v37 =	vand.u32 $0xFFFF0000, v15;
	v34 =	vshll.u32 v10, $0x10;
	v35 =	vld [tilespmem:s0+$0xC230]  }
0x55: {  	v12 =	vsub.f32 v29, v16;
	v38 =	vand.u32 $0xFFFF0000, v10;
	v39 =	vshll.u32 v8, $0x10;
	v40 =	vld [tilespmem:s30+$0xFFFFFFA0]  }
.Ltmp0:
0x56: {  	v16 =	vsub.f32 v30, v17;
	v11 =	vsub.f32 v27, v18;
	v21 =	vand.u32 $0xFFFF0000, v8;
	v26 =	vld [tilespmem:s30+$0xFFFFFFB0];
	(pc) =	sbr.rel @p0 .LBB2_2-.Ltmp0, $4  }
0x57: {  	v14 =	vsub.f32 v28, v20;
	v10 =	vsub.f32 v24, v32;
	v19 =	vshll.u32 v13, $0x10;
	v27 =	vld [tilespmem:s30+$0xFFFFFFC0]  }
0x58: {  	v8 =	vsub.f32 v23, v36;
	v20 =	vand.u32 $0xFFFF0000, v13;
	v13 =	vsub.f32 v25, v33;
	v28 =	vld [tilespmem:s30+$0xFFFFFFD0]  }
0x59: {  	v17 =	vsub.f32 v9, v34;
	v9 =	vsub.f32 v22, v37;
	v15 =	vshll.u32 v35, $0x10;
	v24 =	vld [tilespmem:s30+$0xFFFFFFE0]  }
0x5a: {  	s31 =	sadd.s32 $0x200, s31;
	v23 =	vsub.f32 v31, v38;
	v18 =	vand.u32 $0xFFFF0000, v35;
	v22 =	vsub.f32 v40, v39;
	v25 =	vld [tilespmem:s30+$0xFFFFFFF0];
	s30 =	sadd.s32 $0x100, s30  }
0x5b: {  	_ =	swait.ge [sflag:s23], $0x4000  }
0x5c: {  	[sflag:s23] =	ssyncset.done $0x0  }
0x5d: {  	[sflag:s23] =	ssyncadd.s32 $0xFFFFC000  }
0x5e: {  	_ =	swait.ge [sflag:s24], $0x2000  }
0x5f: {  	[sflag:s24] =	ssyncset.done $0x0  }
0x60: {  	s30 =	simm.s32 $0xE270;
	[sflag:s24] =	ssyncadd.s32 $0xFFFFE000  }
0x61: {  	s0 =	simm.s32 $0x0;
	v12 =	vmul.f32 v12, v12;
	v29 =	vld [tilespmem:s30+$0xFFFFFFD0]  }
0x62: {  	v21 =	vsub.f32 v26, v21;
	v16 =	vmul.f32 v16, v16;
	v11 =	vmul.f32 v11, v11;
	v26 =	vld [tilespmem:s0+$0x4250]  }
0x63: {  	v14 =	vmul.f32 v14, v14;
	v10 =	vmul.f32 v10, v10;
	v19 =	vsub.f32 v27, v19;
	v27 =	vld [tilespmem:s0+$0x4240]  }
0x64: {  	v13 =	vmul.f32 v13, v13;
	v17 =	vmul.f32 v17, v17;
	v30 =	vld [tilespmem:s30+$0xFFFFFFA0]  }
0x65: {  	v23 =	vmul.f32 v23, v23;
	v22 =	vmul.f32 v22, v22;
	v15 =	vsub.f32 v24, v15;
	v24 =	vld [tilespmem:s30+$0xFFFFFFB0]  }
0x66: {  	v20 =	vsub.f32 v28, v20;
	v21 =	vmul.f32 v21, v21;
	v18 =	vsub.f32 v25, v18;
	v25 =	vld [tilespmem:s30+$0xFFFFFFC0]  }
0x67: {  	v0 =	vadd.f32 v17, v0;
	v7 =	vadd.f32 v23, v7;
	v17 =	vmul.f32 v19, v19;
	v19 =	vld [tilespmem:s0+$0x42C0]  }
0x68: {  	v1 =	vadd.f32 v22, v1;
	v21 =	vadd.f32 v21, v2;
	v20 =	vmul.f32 v20, v20;
	v22 =	vld [tilespmem:s30+$0xFFFFFF90]  }
0x69: {  	v2 =	vadd.f32 v12, v0;
	v15 =	vmul.f32 v15, v15;
	v12 =	vadd.f32 v16, v7;
	v7 =	vld [tilespmem:s0+$0x42D0]  }
0x6a: {  	v1 =	vadd.f32 v11, v1;
	v16 =	vmul.f32 v18, v18;
	v0 =	vadd.f32 v14, v21;
	v14 =	vld [tilespmem:s0+$0x4210]  }
0x6b: {  	v8 =	vmul.f32 v8, v8;
	v3 =	vadd.f32 v17, v3;
	v6 =	vadd.f32 v20, v6;
	v17 =	vld [tilespmem:s0+$0x4260]  }
0x6c: {  	v18 =	vld [tilespmem:s30+$0xFFFFFFF0];
	v11 =	vadd.f32 v15, v4;
	v15 =	vadd.f32 v16, v5;
	v16 =	vmul.f32 v9, v9  }
0x6d: {  	v28 =	vld [tilespmem:s0+$0x4200];
	v9 =	vadd.f32 v10, v3;
	v5 =	vadd.f32 v13, v6  }
0x6e: {  	v33 =	vld [tilespmem:s0+$0x42B0];
	v20 =	vadd.f32 v8, v11;
	v3 =	vadd.f32 v16, v15  }
0x6f: {  	v23 =	vld [tilespmem:s0+$0x42A0];
	v6 =	vshll.u32 v29, $0x10;
	v11 =	vand.u32 $0xFFFF0000, v25;
	v8 =	vand.u32 $0xFFFF0000, v22  }
0x70: {  	v4 =	vld [tilespmem:s0+$0x42E0];
	v31 =	vshll.u32 v22, $0x10;
	v14 =	vsub.f32 v14, v8;
	v8 =	vshll.u32 v25, $0x10  }
0x71: {  	v15 =	vshll.u32 v24, $0x10;
	v16 =	vsub.f32 v17, v8;
	v8 =	vand.u32 $0xFFFF0000, v29;
	v29 =	vld [tilespmem:s30+$0xFFFFFFE0]  }
0x72: {  	v10 =	vld [tilespmem:s0+$0x4270];
	v21 =	vshll.u32 v18, $0x10;
	v22 =	vsub.f32 v27, v15;
	v15 =	vand.u32 $0xFFFF0000, v30  }
0x73: {  	v13 =	vld [tilespmem:s30+$0x0];
	v27 =	vshll.u32 v30, $0x10;
	v17 =	vand.u32 $0xFFFF0000, v18;
	v32 =	vmul.f32 v14, v14  }
0x74: {  	v14 =	vand.u32 $0xFFFF0000, v24;
	v18 =	vsub.f32 v7, v17;
	v17 =	vld [tilespmem:s0+$0x4230];
	v25 =	vmul.f32 v16, v16  }
0x75: {  	v24 =	vmul.f32 v22, v22;
	v22 =	vsub.f32 v19, v21;
	v21 =	vld [tilespmem:s0+$0x4220];
	v14 =	vsub.f32 v26, v14  }
0x76: {  	v16 =	vld [tilespmem:s0+$0x4280];
	v26 =	vsub.f32 v28, v31;
	v7 =	vadd.f32 v25, v20;
	v19 =	vand.u32 $0xFFFF0000, v29  }
0x77: {  	v25 =	vmul.f32 v14, v14;
	v14 =	vmul.f32 v18, v18;
	v18 =	vld [tilespmem:s0+$0x42F0];
	v28 =	vsub.f32 v33, v19  }
0x78: {  	s31 =	simm.s32 $0xE2F0;
	s30 =	simm.s32 $0x400;
	v12 =	vadd.f32 v32, v12;
	v20 =	vld [tilespmem:s0+$0x4290];
	v29 =	vshll.u32 v29, $0x10;
	v19 =	vshll.u32 v13, $0x10  }
.LBB2_4:
0x79: {  	s0 =	sshra.s32 s30, $0x2;
	v30 =	vld [tilespmem:s31+$0xFFFFFFD0];
	p0 =	sne.s32 s30, $0xFC00;
	s30 =	sadd.s32 $0x400, s30;
	v23 =	vsub.f32 v23, v29;
	v28 =	vmul.f32 v28, v28;
	v13 =	vand.u32 $0xFFFF0000, v13  }
0x7a: {  	v9 =	vadd.f32 v24, v9;
	v5 =	vadd.f32 v25, v5;
	v22 =	vmul.f32 v22, v22;
	v29 =	vld [tilespmem:s0+$0x4250]  }
0x7b: {  	v25 =	vmul.f32 v26, v26;
	v10 =	vsub.f32 v10, v11;
	v6 =	vsub.f32 v16, v6;
	v24 =	vld [tilespmem:s0+$0x4240]  }
0x7c: {  	v15 =	vsub.f32 v17, v15;
	v11 =	vsub.f32 v21, v27;
	v31 =	vld [tilespmem:s31+$0xFFFFFFA0]  }
0x7d: {  	v2 =	vadd.f32 v25, v2;
	v10 =	vmul.f32 v10, v10;
	v17 =	vmul.f32 v23, v23;
	v16 =	vld [tilespmem:s31+$0xFFFFFFB0]  }
0x7e: {  	v4 =	vsub.f32 v4, v19;
	v13 =	vsub.f32 v18, v13;
	v11 =	vmul.f32 v11, v11;
	v21 =	vld [tilespmem:s31+$0xFFFFFFC0]  }
0x7f: {  	v6 =	vmul.f32 v6, v6;
	v5 =	vadd.f32 v14, v5;
	v8 =	vsub.f32 v20, v8;
	v18 =	vld [tilespmem:s0+$0x42C0]  }
0x80: {  	v3 =	vadd.f32 v10, v3;
	v10 =	vmul.f32 v13, v13;
	v1 =	vadd.f32 v11, v1;
	v14 =	vld [tilespmem:s31+$0xFFFFFF90]  }
0x81: {  	v4 =	vmul.f32 v4, v4;
	v2 =	vadd.f32 v6, v2;
	v11 =	vmul.f32 v15, v15;
	v19 =	vld [tilespmem:s0+$0x42D0]  }
0x82: {  	v6 =	vshll.u32 v30, $0x10;
	v8 =	vmul.f32 v8, v8;
	v1 =	vadd.f32 v17, v1;
	v13 =	vld [tilespmem:s0+$0x4210]  }
0x83: {  	v7 =	vadd.f32 v4, v7;
	v0 =	vadd.f32 v11, v0;
	v15 =	vld [tilespmem:s0+$0x4260]  }
0x84: {  	v9 =	vadd.f32 v22, v9;
	v12 =	vadd.f32 v8, v12;
	v4 =	vld [tilespmem:s0+$0x42E0]  }
0x85: {  	v3 =	vadd.f32 v10, v3;
	v0 =	vadd.f32 v28, v0;
	v17 =	vld [tilespmem:s31+$0xFFFFFFF0]  }
0x86: {  	v11 =	vand.u32 $0xFFFF0000, v21;
	v10 =	vld [tilespmem:s0+$0x4270]  }
0x87: {  	v20 =	vshll.u32 v14, $0x10;
	v8 =	vand.u32 $0xFFFF0000, v14;
	v26 =	vld [tilespmem:s0+$0x4200]  }
0x88: {  	v14 =	vsub.f32 v13, v8;
	v8 =	vshll.u32 v21, $0x10;
	v13 =	vld [tilespmem:s31+$0x0]  }
0x89: {  	v21 =	vshll.u32 v16, $0x10;
	v15 =	vsub.f32 v15, v8;
	v8 =	vand.u32 $0xFFFF0000, v30;
	v30 =	vld [tilespmem:s31+$0xFFFFFFE0]  }
0x8a: {  	v27 =	vmul.f32 v14, v14;
	v14 =	vand.u32 $0xFFFF0000, v16;
	v28 =	vld [tilespmem:s0+$0x42B0];
	v22 =	vshll.u32 v17, $0x10  }
0x8b: {  	v21 =	vsub.f32 v24, v21;
	v25 =	vmul.f32 v15, v15;
	v17 =	vand.u32 $0xFFFF0000, v17;
	v16 =	vld [tilespmem:s0+$0x4280]  }
.Ltmp1:
0x8c: {  	v15 =	vand.u32 $0xFFFF0000, v31;
	v14 =	vsub.f32 v29, v14;
	v19 =	vsub.f32 v19, v17;
	v23 =	vld [tilespmem:s0+$0x42A0];
	(pc) =	sbr.rel @p0 .LBB2_4-.Ltmp1, $4  }
0x8d: {  	v24 =	vmul.f32 v21, v21;
	v22 =	vsub.f32 v18, v22;
	v7 =	vadd.f32 v25, v7;
	v17 =	vld [tilespmem:s0+$0x4230]  }
0x8e: {  	v25 =	vmul.f32 v14, v14;
	v14 =	vmul.f32 v19, v19;
	v21 =	vld [tilespmem:s0+$0x4220];
	v18 =	vand.u32 $0xFFFF0000, v30  }
0x8f: {  	v26 =	vsub.f32 v26, v20;
	v19 =	vshll.u32 v13, $0x10;
	v28 =	vsub.f32 v28, v18;
	v18 =	vld [tilespmem:s0+$0x42F0]  }
0x90: {  	s31 =	sadd.s32 $0x80, s31;
	v12 =	vadd.f32 v27, v12;
	v27 =	vshll.u32 v31, $0x10;
	v29 =	vshll.u32 v30, $0x10;
	v20 =	vld [tilespmem:s0+$0x4290]  }
0x91: {  	_ =	swait.ge [sflag:s25], $0x4000  }
0x92: {  	[sflag:s25] =	ssyncset.done $0x0  }
0x93: {  	[sflag:s25] =	ssyncadd.s32 $0xFFFFC000  }
0x94: {  	_ =	swait.ge [sflag:s26], $0x2000  }
0x95: {  	[sflag:s26] =	ssyncset.done $0x0  }
0x96: {  	s30 =	simm.s32 $0x10270;
	[sflag:s26] =	ssyncadd.s32 $0xFFFFE000  }
0x97: {  	s0 =	simm.s32 $0x0;
	v30 =	vld [tilespmem:s30+$0xFFFFFFD0]  }
0x98: {  	v23 =	vsub.f32 v23, v29;
	v29 =	vld [tilespmem:s0+$0x8250]  }
0x99: {  	v9 =	vadd.f32 v24, v9;
	v5 =	vadd.f32 v25, v5;
	v24 =	vld [tilespmem:s0+$0x8240]  }
0x9a: {  	v25 =	vmul.f32 v28, v28;
	v26 =	vmul.f32 v26, v26;
	v10 =	vsub.f32 v10, v11;
	v31 =	vld [tilespmem:s30+$0xFFFFFFA0]  }
0x9b: {  	v11 =	vand.u32 $0xFFFF0000, v13;
	v6 =	vsub.f32 v16, v6;
	v19 =	vsub.f32 v4, v19;
	v16 =	vld [tilespmem:s30+$0xFFFFFFB0]  }
0x9c: {  	v15 =	vsub.f32 v17, v15;
	v13 =	vsub.f32 v21, v27;
	v21 =	vmul.f32 v22, v22;
	v17 =	vld [tilespmem:s30+$0xFFFFFFC0]  }
0x9d: {  	v2 =	vadd.f32 v26, v2;
	v10 =	vmul.f32 v10, v10;
	v23 =	vmul.f32 v23, v23;
	v22 =	vld [tilespmem:s0+$0x82C0]  }
0x9e: {  	v6 =	vmul.f32 v6, v6;
	v11 =	vsub.f32 v18, v11;
	v13 =	vmul.f32 v13, v13;
	v18 =	vld [tilespmem:s30+$0xFFFFFF90]  }
0x9f: {  	v4 =	vadd.f32 v14, v5;
	v5 =	vmul.f32 v15, v15;
	v8 =	vsub.f32 v20, v8;
	v14 =	vld [tilespmem:s0+$0x82D0]  }
0xa0: {  	v3 =	vadd.f32 v10, v3;
	v10 =	vmul.f32 v19, v19;
	v1 =	vadd.f32 v13, v1;
	v13 =	vld [tilespmem:s0+$0x8210]  }
0xa1: {  	v2 =	vadd.f32 v6, v2;
	v11 =	vmul.f32 v11, v11;
	v0 =	vadd.f32 v5, v0;
	v15 =	vld [tilespmem:s30+$0xFFFFFFF0]  }
0xa2: {  	v9 =	vadd.f32 v21, v9;
	v6 =	vmul.f32 v8, v8;
	v8 =	vld [tilespmem:s0+$0x8260];
	v7 =	vadd.f32 v10, v7  }
0xa3: {  	v5 =	vld [tilespmem:s0+$0x82E0];
	v0 =	vadd.f32 v25, v0;
	v3 =	vadd.f32 v11, v3  }
0xa4: {  	v10 =	vld [tilespmem:s0+$0x8270];
	v1 =	vadd.f32 v23, v1;
	v12 =	vadd.f32 v6, v12  }
0xa5: {  	v20 =	vld [tilespmem:s0+$0x8200];
	v6 =	vshll.u32 v30, $0x10;
	v11 =	vand.u32 $0xFFFF0000, v17;
	v19 =	vand.u32 $0xFFFF0000, v18  }
0xa6: {  	v28 =	vld [tilespmem:s0+$0x82B0];
	v17 =	vshll.u32 v17, $0x10;
	v21 =	vshll.u32 v16, $0x10;
	v25 =	vshll.u32 v15, $0x10  }
0xa7: {  	v19 =	vsub.f32 v13, v19;
	v17 =	vsub.f32 v8, v17;
	v8 =	vand.u32 $0xFFFF0000, v30;
	v30 =	vld [tilespmem:s30+$0xFFFFFFE0]  }
0xa8: {  	v23 =	vld [tilespmem:s0+$0x82A0];
	v18 =	vshll.u32 v18, $0x10;
	v21 =	vsub.f32 v24, v21;
	v22 =	vsub.f32 v22, v25  }
0xa9: {  	v13 =	vld [tilespmem:s30+$0x0];
	v27 =	vmul.f32 v19, v19;
	v19 =	vand.u32 $0xFFFF0000, v16;
	v26 =	vmul.f32 v17, v17  }
0xaa: {  	v16 =	vld [tilespmem:s0+$0x8280];
	v17 =	vand.u32 $0xFFFF0000, v15;
	v15 =	vand.u32 $0xFFFF0000, v31;
	v19 =	vsub.f32 v29, v19  }
0xab: {  	v24 =	vmul.f32 v21, v21;
	v21 =	vld [tilespmem:s0+$0x8220];
	v14 =	vsub.f32 v14, v17;
	v7 =	vadd.f32 v26, v7  }
0xac: {  	v17 =	vld [tilespmem:s0+$0x8230];
	v26 =	vsub.f32 v20, v18;
	v25 =	vmul.f32 v19, v19;
	v19 =	vand.u32 $0xFFFF0000, v30  }
0xad: {  	v18 =	vld [tilespmem:s0+$0x82F0];
	v12 =	vadd.f32 v27, v12;
	v27 =	vshll.u32 v31, $0x10;
	v28 =	vsub.f32 v28, v19  }
0xae: {  	s31 =	simm.s32 $0x102F0;
	s30 =	simm.s32 $0x400;
	v20 =	vld [tilespmem:s0+$0x8290];
	v14 =	vmul.f32 v14, v14;
	v29 =	vshll.u32 v30, $0x10;
	v19 =	vshll.u32 v13, $0x10  }
.LBB2_6:
0xaf: {  	s0 =	sshra.s32 s30, $0x2;
	v30 =	vld [tilespmem:s31+$0xFFFFFFD0];
	p0 =	sne.s32 s30, $0xFC00;
	s30 =	sadd.s32 $0x400, s30;
	v23 =	vsub.f32 v23, v29;
	v28 =	vmul.f32 v28, v28;
	v13 =	vand.u32 $0xFFFF0000, v13  }
0xb0: {  	v9 =	vadd.f32 v24, v9;
	v4 =	vadd.f32 v25, v4;
	v22 =	vmul.f32 v22, v22;
	v29 =	vld [tilespmem:s0+$0x8250]  }
0xb1: {  	v25 =	vmul.f32 v26, v26;
	v10 =	vsub.f32 v10, v11;
	v6 =	vsub.f32 v16, v6;
	v24 =	vld [tilespmem:s0+$0x8240]  }
0xb2: {  	v15 =	vsub.f32 v17, v15;
	v11 =	vsub.f32 v21, v27;
	v31 =	vld [tilespmem:s31+$0xFFFFFFA0]  }
0xb3: {  	v2 =	vadd.f32 v25, v2;
	v10 =	vmul.f32 v10, v10;
	v17 =	vmul.f32 v23, v23;
	v16 =	vld [tilespmem:s31+$0xFFFFFFB0]  }
0xb4: {  	v5 =	vsub.f32 v5, v19;
	v13 =	vsub.f32 v18, v13;
	v11 =	vmul.f32 v11, v11;
	v21 =	vld [tilespmem:s31+$0xFFFFFFC0]  }
0xb5: {  	v6 =	vmul.f32 v6, v6;
	v4 =	vadd.f32 v14, v4;
	v8 =	vsub.f32 v20, v8;
	v18 =	vld [tilespmem:s0+$0x82C0]  }
0xb6: {  	v3 =	vadd.f32 v10, v3;
	v10 =	vmul.f32 v13, v13;
	v1 =	vadd.f32 v11, v1;
	v14 =	vld [tilespmem:s31+$0xFFFFFF90]  }
0xb7: {  	v5 =	vmul.f32 v5, v5;
	v2 =	vadd.f32 v6, v2;
	v11 =	vmul.f32 v15, v15;
	v19 =	vld [tilespmem:s0+$0x82D0]  }
0xb8: {  	v6 =	vshll.u32 v30, $0x10;
	v8 =	vmul.f32 v8, v8;
	v1 =	vadd.f32 v17, v1;
	v13 =	vld [tilespmem:s0+$0x8210]  }
0xb9: {  	v7 =	vadd.f32 v5, v7;
	v0 =	vadd.f32 v11, v0;
	v15 =	vld [tilespmem:s0+$0x8260]  }
0xba: {  	v9 =	vadd.f32 v22, v9;
	v12 =	vadd.f32 v8, v12;
	v5 =	vld [tilespmem:s0+$0x82E0]  }
0xbb: {  	v3 =	vadd.f32 v10, v3;
	v0 =	vadd.f32 v28, v0;
	v17 =	vld [tilespmem:s31+$0xFFFFFFF0]  }
0xbc: {  	v11 =	vand.u32 $0xFFFF0000, v21;
	v10 =	vld [tilespmem:s0+$0x8270]  }
0xbd: {  	v20 =	vshll.u32 v14, $0x10;
	v8 =	vand.u32 $0xFFFF0000, v14;
	v26 =	vld [tilespmem:s0+$0x8200]  }
0xbe: {  	v14 =	vsub.f32 v13, v8;
	v8 =	vshll.u32 v21, $0x10;
	v13 =	vld [tilespmem:s31+$0x0]  }
0xbf: {  	v21 =	vshll.u32 v16, $0x10;
	v15 =	vsub.f32 v15, v8;
	v8 =	vand.u32 $0xFFFF0000, v30;
	v30 =	vld [tilespmem:s31+$0xFFFFFFE0]  }
0xc0: {  	v27 =	vmul.f32 v14, v14;
	v14 =	vand.u32 $0xFFFF0000, v16;
	v28 =	vld [tilespmem:s0+$0x82B0];
	v22 =	vshll.u32 v17, $0x10  }
0xc1: {  	v21 =	vsub.f32 v24, v21;
	v25 =	vmul.f32 v15, v15;
	v17 =	vand.u32 $0xFFFF0000, v17;
	v16 =	vld [tilespmem:s0+$0x8280]  }
.Ltmp2:
0xc2: {  	v15 =	vand.u32 $0xFFFF0000, v31;
	v14 =	vsub.f32 v29, v14;
	v19 =	vsub.f32 v19, v17;
	v23 =	vld [tilespmem:s0+$0x82A0];
	(pc) =	sbr.rel @p0 .LBB2_6-.Ltmp2, $4  }
0xc3: {  	v24 =	vmul.f32 v21, v21;
	v22 =	vsub.f32 v18, v22;
	v7 =	vadd.f32 v25, v7;
	v17 =	vld [tilespmem:s0+$0x8230]  }
0xc4: {  	v25 =	vmul.f32 v14, v14;
	v14 =	vmul.f32 v19, v19;
	v21 =	vld [tilespmem:s0+$0x8220];
	v18 =	vand.u32 $0xFFFF0000, v30  }
0xc5: {  	v26 =	vsub.f32 v26, v20;
	v19 =	vshll.u32 v13, $0x10;
	v28 =	vsub.f32 v28, v18;
	v18 =	vld [tilespmem:s0+$0x82F0]  }
0xc6: {  	s31 =	sadd.s32 $0x80, s31;
	v12 =	vadd.f32 v27, v12;
	v27 =	vshll.u32 v31, $0x10;
	v29 =	vshll.u32 v30, $0x10;
	v20 =	vld [tilespmem:s0+$0x8290]  }
0xc7: {  	_ =	swait.ge [sflag:s20], $0x4000  }
0xc8: {  	[sflag:s20] =	ssyncset.done $0x0  }
0xc9: {  	[sflag:s20] =	ssyncadd.s32 $0xFFFFC000  }
0xca: {  	_ =	swait.ge [sflag:s21], $0x2000  }
0xcb: {  	[sflag:s21] =	ssyncset.done $0x0  }
0xcc: {  	s0 =	simm.s32 $0x280;
	[sflag:s21] =	ssyncadd.s32 $0xFFFFE000  }
0xcd: {  	v30 =	vld [tilespmem:s0+$0x0]  }
0xce: {  	v31 =	vld [tilespmem:s0+$0x10]  }
0xcf: {  	v32 =	vld [tilespmem:s0+$0x20]  }
0xd0: {  	v23 =	vsub.f32 v23, v29;
	v28 =	vmul.f32 v28, v28;
	v9 =	vadd.f32 v24, v9;
	v29 =	vld [tilespmem:s0+$0x30]  }
0xd1: {  	v4 =	vadd.f32 v25, v4;
	v24 =	vmul.f32 v26, v26;
	v10 =	vsub.f32 v10, v11;
	v11 =	vld [tilespmem:s0+$0x40]  }
0xd2: {  	v13 =	vand.u32 $0xFFFF0000, v13;
	v6 =	vsub.f32 v16, v6;
	v16 =	vsub.f32 v21, v27;
	v26 =	vld [tilespmem:s0+$0x50]  }
0xd3: {  	v5 =	vsub.f32 v5, v19;
	v15 =	vsub.f32 v17, v15;
	v21 =	vmul.f32 v22, v22;
	v27 =	vld [tilespmem:s0+$0x60]  }
0xd4: {  	s30 =	simm.s32 $0x0;
	v17 =	vadd.f32 v24, v2;
	v10 =	vmul.f32 v10, v10;
	v16 =	vmul.f32 v16, v16;
	v19 =	vld [tilespmem:s0+$0x70]  }
0xd5: {  	v22 =	vmul.f32 v23, v23;
	v2 =	vadd.f32 v14, v4;
	v13 =	vsub.f32 v18, v13;
	v18 =	vld [tilespmem:s30+$0xC240]  }
0xd6: {  	v6 =	vmul.f32 v6, v6;
	v8 =	vsub.f32 v20, v8;
	v1 =	vadd.f32 v16, v1;
	v14 =	vld [tilespmem:s30+$0xC250]  }
0xd7: {  	v10 =	vadd.f32 v10, v3;
	v3 =	vmul.f32 v15, v15;
	v15 =	vmul.f32 v5, v5;
	v16 =	vld [tilespmem:s30+$0xC260]  }
0xd8: {  	v5 =	vadd.f32 v6, v17;
	v6 =	vmul.f32 v8, v8;
	v8 =	vld [tilespmem:s30+$0xC270];
	v4 =	vadd.f32 v22, v1  }
0xd9: {  	v17 =	vld [tilespmem:s30+$0xC220];
	v1 =	vmul.f32 v13, v13;
	v13 =	vadd.f32 v3, v0;
	v0 =	vadd.f32 v15, v7  }
0xda: {  	v33 =	vld [tilespmem:s0+$0xFFFFFF90];
	v7 =	vadd.f32 v6, v12;
	v3 =	vadd.f32 v21, v9  }
0xdb: {  	v36 =	vld [tilespmem:s30+$0xC230];
	v6 =	vadd.f32 v28, v13;
	v1 =	vadd.f32 v1, v10  }
0xdc: {  	v15 =	vld [tilespmem:s30+$0xC200];
	v10 =	vshll.u32 v18, $0x10;
	v12 =	vand.u32 $0xFFFF0000, v18;
	v13 =	vshll.u32 v14, $0x10  }
0xdd: {  	v9 =	vld [tilespmem:s30+$0xC210];
	v14 =	vand.u32 $0xFFFF0000, v14;
	v18 =	vshll.u32 v16, $0x10;
	v34 =	vand.u32 $0xFFFF0000, v16  }
0xde: {  	v40 =	vld [tilespmem:s0+$0xFFFFFFA0];
	v37 =	vshll.u32 v8, $0x10;
	v38 =	vand.u32 $0xFFFF0000, v8;
	v16 =	vsub.f32 v30, v10  }
0xdf: {  	v28 =	vld [tilespmem:s0+$0xFFFFFF80];
	v21 =	vshll.u32 v17, $0x10;
	v22 =	vsub.f32 v31, v12;
	v12 =	vsub.f32 v32, v13  }
0xe0: {  	v25 =	vld [tilespmem:s0+$0xFFFFFFB0];
	v17 =	vand.u32 $0xFFFF0000, v17;
	v13 =	vsub.f32 v29, v14;
	v10 =	vsub.f32 v11, v18  }
0xe1: {  	v24 =	vld [tilespmem:s0+$0xFFFFFFC0];
	v11 =	vsub.f32 v26, v34;
	v8 =	vsub.f32 v27, v37;
	v14 =	vshll.u32 v36, $0x10  }
0xe2: {  	v20 =	vld [tilespmem:s0+$0xFFFFFFD0];
	v35 =	vshll.u32 v15, $0x10;
	v15 =	vand.u32 $0xFFFF0000, v15;
	v39 =	vshll.u32 v9, $0x10  }
0xe3: {  	v18 =	vld [tilespmem:s0+$0xFFFFFFE0];
	v23 =	vand.u32 $0xFFFF0000, v9;
	v9 =	vsub.f32 v19, v38;
	v27 =	vsub.f32 v40, v39  }
0xe4: {  	s31 =	simm.s32 $0x200;
	s30 =	simm.s32 $0x380;
	v19 =	vld [tilespmem:s0+$0xFFFFFFF0];
	v26 =	vsub.f32 v28, v35;
	v28 =	vsub.f32 v33, v15;
	v15 =	vand.u32 $0xFFFF0000, v36  }
.LBB2_8:
0xe5: {  	v29 =	vld [tilespmem:s30+$0x0];
	p0 =	sne.s32 s31, $0x7E00;
	v23 =	vsub.f32 v25, v23;
	v16 =	vmul.f32 v16, v16;
	v22 =	vmul.f32 v22, v22  }
0xe6: {  	v12 =	vmul.f32 v12, v12;
	v13 =	vmul.f32 v13, v13;
	v30 =	vld [tilespmem:s30+$0x10];
	v21 =	vsub.f32 v24, v21  }
0xe7: {  	v10 =	vmul.f32 v10, v10;
	v11 =	vmul.f32 v11, v11;
	v24 =	vld [tilespmem:s30+$0x20];
	v17 =	vsub.f32 v20, v17  }
0xe8: {  	v25 =	vmul.f32 v26, v26;
	v26 =	vmul.f32 v28, v28;
	v20 =	vld [tilespmem:s30+$0x30];
	v14 =	vsub.f32 v18, v14  }
0xe9: {  	v27 =	vmul.f32 v27, v27;
	v23 =	vmul.f32 v23, v23;
	v18 =	vld [tilespmem:s30+$0x40];
	v15 =	vsub.f32 v19, v15  }
0xea: {  	v5 =	vadd.f32 v25, v5;
	v7 =	vadd.f32 v26, v7;
	v21 =	vmul.f32 v21, v21;
	v19 =	vld [tilespmem:s30+$0x50]  }
0xeb: {  	v4 =	vadd.f32 v27, v4;
	v6 =	vadd.f32 v23, v6;
	v17 =	vmul.f32 v17, v17;
	v26 =	vld [tilespmem:s30+$0x60]  }
0xec: {  	s0 =	sshra.s32 s31, $0x2;
	v5 =	vadd.f32 v16, v5;
	v14 =	vmul.f32 v14, v14;
	v7 =	vadd.f32 v22, v7;
	v27 =	vld [tilespmem:s30+$0x70]  }
0xed: {  	v4 =	vadd.f32 v12, v4;
	v15 =	vmul.f32 v15, v15;
	v6 =	vadd.f32 v13, v6;
	v16 =	vld [tilespmem:s0+$0xC240]  }
0xee: {  	v8 =	vmul.f32 v8, v8;
	v3 =	vadd.f32 v21, v3;
	v2 =	vadd.f32 v17, v2;
	v12 =	vld [tilespmem:s0+$0xC250]  }
0xef: {  	v9 =	vmul.f32 v9, v9;
	v0 =	vadd.f32 v14, v0;
	v1 =	vadd.f32 v15, v1;
	v13 =	vld [tilespmem:s0+$0xC260]  }
0xf0: {  	v3 =	vadd.f32 v10, v3;
	v2 =	vadd.f32 v11, v2;
	v14 =	vld [tilespmem:s0+$0xC270]  }
0xf1: {  	v0 =	vadd.f32 v8, v0;
	v1 =	vadd.f32 v9, v1;
	v10 =	vld [tilespmem:s0+$0xC200]  }
0xf2: {  	v8 =	vld [tilespmem:s0+$0xC210]  }
0xf3: {  	v9 =	vld [tilespmem:s30+$0xFFFFFF80]  }
0xf4: {  	v15 =	vshll.u32 v16, $0x10;
	v17 =	vand.u32 $0xFFFF0000, v16;
	v21 =	vshll.u32 v12, $0x10;
	v11 =	vld [tilespmem:s0+$0xC220]  }
0xf5: {  	v31 =	vand.u32 $0xFFFF0000, v12;
	v32 =	vshll.u32 v13, $0x10;
	v33 =	vand.u32 $0xFFFF0000, v13;
	v28 =	vld [tilespmem:s30+$0xFFFFFF90]  }
0xf6: {  	v36 =	vshll.u32 v14, $0x10;
	v37 =	vand.u32 $0xFFFF0000, v14;
	v34 =	vshll.u32 v10, $0x10;
	v35 =	vld [tilespmem:s0+$0xC230]  }
0xf7: {  	v16 =	vsub.f32 v29, v15;
	v38 =	vand.u32 $0xFFFF0000, v10;
	v39 =	vshll.u32 v8, $0x10;
	v40 =	vld [tilespmem:s30+$0xFFFFFFA0]  }
.Ltmp3:
0xf8: {  	v22 =	vsub.f32 v30, v17;
	v12 =	vsub.f32 v24, v21;
	v23 =	vand.u32 $0xFFFF0000, v8;
	v25 =	vld [tilespmem:s30+$0xFFFFFFB0];
	(pc) =	sbr.rel @p0 .LBB2_8-.Ltmp3, $4  }
0xf9: {  	v13 =	vsub.f32 v20, v31;
	v10 =	vsub.f32 v18, v32;
	v21 =	vshll.u32 v11, $0x10;
	v24 =	vld [tilespmem:s30+$0xFFFFFFC0]  }
0xfa: {  	v8 =	vsub.f32 v26, v36;
	v17 =	vand.u32 $0xFFFF0000, v11;
	v11 =	vsub.f32 v19, v33;
	v20 =	vld [tilespmem:s30+$0xFFFFFFD0]  }
0xfb: {  	v26 =	vsub.f32 v9, v34;
	v9 =	vsub.f32 v27, v37;
	v14 =	vshll.u32 v35, $0x10;
	v18 =	vld [tilespmem:s30+$0xFFFFFFE0]  }
0xfc: {  	s31 =	sadd.s32 $0x200, s31;
	v28 =	vsub.f32 v28, v38;
	v15 =	vand.u32 $0xFFFF0000, v35;
	v27 =	vsub.f32 v40, v39;
	v19 =	vld [tilespmem:s30+$0xFFFFFFF0];
	s30 =	sadd.s32 $0x100, s30  }
0xfd: {  	_ = 	snop  }
0xfe: {  	v26 =	vmul.f32 v26, v26;
	v28 =	vmul.f32 v28, v28  }
0xff: {  	v23 =	vsub.f32 v25, v23;
	v16 =	vmul.f32 v16, v16;
	v56 =	vmul.f32 v27, v27  }
0x100: {  	v22 =	vmul.f32 v22, v22;
	v5 =	vadd.f32 v26, v5;
	v7 =	vadd.f32 v28, v7  }
0x101: {  	v21 =	vsub.f32 v24, v21;
	v23 =	vmul.f32 v23, v23;
	v4 =	vadd.f32 v56, v4  }
0x102: {  	v12 =	vmul.f32 v12, v12;
	v5 =	vadd.f32 v16, v5;
	v7 =	vadd.f32 v22, v7  }
0x103: {  	v57 =	vsub.f32 v20, v17;
	v58 =	vmul.f32 v21, v21;
	v6 =	vadd.f32 v23, v6  }
0x104: {  	v13 =	vmul.f32 v13, v13;
	v4 =	vadd.f32 v12, v4;
	v5 =	vadd.f32 v7, v5  }
0x105: {  	v59 =	vsub.f32 v18, v14;
	v60 =	vmul.f32 v57, v57;
	v3 =	vadd.f32 v58, v3  }
0x106: {  	v10 =	vmul.f32 v10, v10;
	v6 =	vadd.f32 v13, v6;
	v4 =	vadd.f32 v4, v5  }
0x107: {  	v11 =	vmul.f32 v11, v11;
	v61 =	vsub.f32 v19, v15;
	v2 =	vadd.f32 v60, v2  }
0x108: {  	v7 =	vmul.f32 v59, v59;
	v3 =	vadd.f32 v10, v3;
	v4 =	vadd.f32 v6, v4  }
0x109: {  	v2 =	vadd.f32 v11, v2;
	v5 =	vmul.f32 v61, v61  }
0x10a: {  	v62 =	vmul.f32 v8, v8;
	v0 =	vadd.f32 v7, v0;
	v3 =	vadd.f32 v3, v4  }
0x10b: {  	v1 =	vadd.f32 v5, v1  }
0x10c: {  	v63 =	vmul.f32 v9, v9;
	v0 =	vadd.f32 v62, v0;
	v2 =	vadd.f32 v2, v3;
	_ =	sdelay $0x1  }
0x10d: {  	v1 =	vadd.f32 v63, v1;
	v0 =	vadd.f32 v0, v2;
	_ =	sdelay $0x1  }
0x10e: {  	s29 =	sadd.s32 $0x1, s29;
	v0 =	vadd.f32 v1, v0  }
0x10f: {  	p0 =	sne.s32 s29, s10  }
.Ltmp4:
0x110: {  	[tilespmem:$0x12200] =	vst v0;
	(pc) =	sbr.rel @p0 .LBB2_1-.Ltmp4, $4  }
0x111: {  	[hbm4b:s9+s3] =	stream.linear.scatter [tilespmem:s28], [sflag:$0x7], $0x10, $0x38;
	[tilespmem:$0x12210] =	vst v63  }
0x112: {  	_ =	swait.ge [sflag:s11], $0x10  }
0x113: {  	[sflag:s11] =	ssyncset.done $0x0  }
0x114: {  	[sflag:s11] =	ssyncadd.s32 $0xFFFFFFF0  }
0x115: {  	_ =	sfence.sel $0x180000  }
0x116: {  	[bflag:$0x0] =	sbarrier.arrive $0xFFFF  }
0x117: {  	_ =	strace $0x90000047  }
0x118: {  	[bflag:$0x2] =	sbarrier.arrive $0xFFFF  }
0x119: {  	p0 =	sne.s32 s1, $0x0;
	s0 =	rddreg [dreg:$0x3]  }
0x11a: {  	s0 =	sadd.s32 @!p0 $0x100000, s0  }
0x11b: {  	[sflag:s0] =	ssyncadd.tile.s32 @!p0 $0x1;
	_ =	shalt  }
.Lfunc_end2:
_tile_overlayer_lowered:
.L_overlay_start_2:
0x11c: {  	(tag) =	ssettag $0x2  }
0x11d: {  	s0 =	rddreg [dreg:$0x0];
	s2 =	stileid.u32  }
0x11e: {  	s1 =	rddreg [dreg:$0x1];
	p0 =	sne.s32 s2, $0x0  }
0x11f: {  	s3 =	rddreg [dreg:$0x2];
	[bflag:$0x3] =	sbarrier.arrive $0xFFFF;
	s2 =	simm.s32 @!p0 $0x1C07  }
0x120: {  	[timem:s3], [sflag:s2] =	dma.local @!p0 [hbm:s0], s1  }
0x121: {  	s0 =	simm.s32 @!p0 $0x7  }
0x122: {  	_ =	swait.ge @!p0 [sflag:s0], s1  }
0x123: {  	s1 =	ssub.s32 @!p0 $0x0, s1;
	[sflag:s0] =	ssyncset.done @!p0 $0x0  }
0x124: {  	[sflag:s0] =	ssyncadd.s32 @!p0 s1  }
0x125: {  	[bflag:$0x3] =	sbarrier.arrive $0xFFFF  }
0x126: {  	_ =	shalt  }

</sc_bundles>
